<compile_context>
chip_gen: v7x
topology: tpu7x:2x2x1
jax: 0.10.2.dev20260603
libtpu: 0.0.44.dev20260713+nightly
codegen_flags: <defaults>
</compile_context>

<pallas_src>
import functools

import numpy as np

import jax
import jax.numpy as jnp
from jax import lax
from jax.experimental import pallas as pl
from jax.experimental.pallas import tpu as pltpu
from jax.experimental.pallas import tpu_sc as plsc

N_NODES = 10000
N_EDGES = 320000
D = 128
VD = 24

NC = 2
NS = 16
NW = NC * NS
CHUNK = 128
DW = D // 2
NCH_ALL = N_EDGES // CHUNK
WCHUNK = 80
LCHUNK = NCH_ALL - (NW - 1) * WCHUNK
ACC_ROWS = 10112
ZROWS = ACC_ROWS // NS
OUT_RPS = 624

_mesh = plsc.VectorSubcoreMesh(core_axis_name="c", subcore_axis_name="s")


NBUF = 2
SUP = 4


@functools.partial(
    pl.kernel,
    out_type=(jax.ShapeDtypeStruct((N_NODES, D), jnp.float32),
              jax.ShapeDtypeStruct((N_NODES, D), jnp.float32)),
    mesh=_mesh,
    scratch_types=[
        pltpu.VMEM_SHARED((ACC_ROWS, D), jnp.float32),
        pltpu.VMEM((WCHUNK, CHUNK), jnp.int32),
        pltpu.VMEM((2, SUP, CHUNK), jnp.int32),
        pltpu.VMEM((NBUF, CHUNK, DW), jnp.int32),
        pltpu.VMEM((CHUNK, D), jnp.float32),
        pltpu.SemaphoreType.DMA((2,)),
        pltpu.SemaphoreType.DMA((NBUF,)),
        pltpu.SemaphoreType.DMA,
    ],
    compiler_params=pltpu.CompilerParams(use_tc_tiling_on_sc=False),
)
def _segsum_sc(mu_hbm, ep_hbm, zeros_hbm, out0_hbm, out1_hbm,
               acc, src_v, dst_v, rows_bf, rows_f, isem_d, gsem, ssem):
    c = lax.axis_index("c")
    s = lax.axis_index("s")
    wid = s * NC + c
    k0 = wid * WCHUNK
    islast = wid == NW - 1
    nch = jnp.where(islast, LCHUNK, WCHUNK)
    nsup = jnp.where(islast, LCHUNK // SUP, WCHUNK // SUP)

    def start_idx(u, m):
        pltpu.async_copy(ep_hbm.at[0, pl.ds(k0 + u * SUP, SUP)], dst_v.at[m],
                         isem_d.at[m])

    def wait_idx(u, m):
        pltpu.make_async_copy(ep_hbm.at[0, pl.ds(k0 + u * SUP, SUP)],
                              dst_v.at[m], isem_d.at[m]).wait()

    def start_gather(k, b):
        pltpu.async_copy(mu_hbm.at[src_v.at[k]], rows_bf.at[b], gsem.at[b])

    def wait_gather(k, b):
        pltpu.make_async_copy(mu_hbm.at[src_v.at[k]], rows_bf.at[b],
                              gsem.at[b]).wait()

    def start_scatter(k):
        pltpu.async_copy(rows_f, acc.at[dst_v.at[(k // SUP) % 2, k % SUP]],
                         ssem, add=True)

    def wait_scatter(k):
        pltpu.make_async_copy(rows_f, acc.at[dst_v.at[(k // SUP) % 2, k % SUP]],
                              ssem).wait()

    hi_mask = jnp.full((16,), -65536, jnp.int32)

    def convert(b):
        def row(r, carry):
            for h in range(4):
                w = rows_bf[b, r, pl.ds(16 * h, 16)]
                lo = lax.bitcast_convert_type(w << 16, jnp.float32)
                hi = lax.bitcast_convert_type(w & hi_mask, jnp.float32)
                rows_f[r, pl.ds(32 * h, 16)] = lo
                rows_f[r, pl.ds(32 * h + 16, 16)] = hi
            return carry

        lax.fori_loop(0, CHUNK, row, 0)

    start_idx(0, 0)
    start_idx(1, 1)

    @pl.when(jnp.logical_not(islast))
    def _():
        pltpu.sync_copy(ep_hbm.at[1, pl.ds(k0, WCHUNK)], src_v)

    @pl.when(islast)
    def _():
        pltpu.sync_copy(ep_hbm.at[1, pl.ds(k0, LCHUNK)],
                        src_v.at[pl.ds(0, LCHUNK)])

    pltpu.sync_copy(zeros_hbm, acc.at[pl.ds(s * ZROWS, ZROWS)])
    plsc.subcore_barrier()
    start_gather(0, 0)
    start_gather(1, 1)
    wait_idx(0, 0)
    wait_gather(0, 0)
    convert(0)
    start_scatter(0)
    start_gather(2, 0)

    def body(k, carry):
        b = lax.rem(k, NBUF)
        u = k // SUP
        kmod = lax.rem(k, SUP)
        wait_gather(k, b)
        wait_scatter(k - 1)

        @pl.when(kmod == 0)
        def _():
            wait_idx(u, lax.rem(u, 2))

        @pl.when((kmod == 0) & (u <= nsup - 2))
        def _():
            start_idx(u + 1, lax.rem(u + 1, 2))

        convert(b)
        start_scatter(k)

        @pl.when(k + NBUF < nch)
        def _():
            start_gather(k + NBUF, b)

        return carry

    lax.fori_loop(1, nch, body, 0)
    wait_scatter(nch - 1)
    plsc.subcore_barrier()

    for cc, out_hbm in ((0, out0_hbm), (1, out1_hbm)):
        @pl.when((c == cc) & (s < NS - 1))
        def _(out_hbm=out_hbm):
            pltpu.sync_copy(acc.at[pl.ds(s * OUT_RPS, OUT_RPS)],
                            out_hbm.at[pl.ds(s * OUT_RPS, OUT_RPS)])

        @pl.when((c == cc) & (s == NS - 1))
        def _(out_hbm=out_hbm):
            tail = N_NODES - (NS - 1) * OUT_RPS
            pltpu.sync_copy(acc.at[pl.ds((NS - 1) * OUT_RPS, tail)],
                            out_hbm.at[pl.ds((NS - 1) * OUT_RPS, tail)])


def _dense_body(x_ref, w1t_ref, p0_ref, p1_ref, w2t_ref, o_ref):
    xh = jnp.dot(x_ref[...], w1t_ref[...], preferred_element_type=jnp.float32)
    agg = jnp.dot(p0_ref[...] + p1_ref[...], w2t_ref[...],
                  preferred_element_type=jnp.float32)
    o_ref[...] = jnp.maximum(xh + agg, 0.0)


_ROWS_BLK = 1000

_dense = pl.pallas_call(
    _dense_body,
    grid=(N_NODES // _ROWS_BLK,),
    in_specs=[
        pl.BlockSpec((_ROWS_BLK, VD), lambda i: (i, 0)),
        pl.BlockSpec((VD, D), lambda i: (0, 0)),
        pl.BlockSpec((_ROWS_BLK, D), lambda i: (i, 0)),
        pl.BlockSpec((_ROWS_BLK, D), lambda i: (i, 0)),
        pl.BlockSpec((D, D), lambda i: (0, 0)),
    ],
    out_specs=pl.BlockSpec((_ROWS_BLK, D), lambda i: (i, 0)),
    out_shape=jax.ShapeDtypeStruct((N_NODES, D), jnp.float32),
)


_SIGMA = np.empty((D,), np.int32)
for _g in range(4):
    _SIGMA[32 * _g + np.arange(16)] = 16 * _g + np.arange(16)
    _SIGMA[32 * _g + 16 + np.arange(16)] = 16 * _g + 64 + np.arange(16)


def kernel(mu, x, edge_index, W1, W2):
    ep3 = edge_index.astype(jnp.int32).reshape(2, NCH_ALL, CHUNK)
    zeros = jnp.zeros((ZROWS, D), jnp.float32)
    mu_i = jax.lax.bitcast_convert_type(mu, jnp.int32) + 0x8000
    lo_w = (mu_i[:, :DW] >> 16) & 0xFFFF
    hi_w = mu_i[:, DW:] & jnp.int32(-65536)
    mu_pk = lo_w | hi_w
    p0, p1 = _segsum_sc(mu_pk, ep3, zeros)
    w2tp = W2.T[jnp.asarray(_SIGMA)]
    return _dense(x, W1.T, p0, p1, w2tp)

# --- scband reference (transcript-rebuilt; emitter-appended) ---
"""Pipeline reference for scband-s2-v-45896020525234 (READ-ONLY COPY).

The authoritative reference and input builder live on the scoring server;
editing this copy changes nothing except your own understanding.
"""

import jax, jax.numpy as jnp
import numpy as np

N_NODES = 10000
N_EDGES = 320000
IN_DIM = 128
OUT_DIM = 128
VERTEX_DIM = 24


def setup_inputs(seed: int = 0) -> dict:
    key = jax.random.key(seed)
    k_mu, k_x, k_ei, k_w1, k_w2 = jax.random.split(key, 5)
    mu = jax.random.normal(k_mu, (N_NODES, IN_DIM), dtype=jnp.float32)
    x = jax.random.normal(k_x, (N_NODES, VERTEX_DIM), dtype=jnp.float32)
    edge_index = jax.random.randint(k_ei, (2, N_EDGES), 0, N_NODES, dtype=jnp.int64)
    # Learned params: nn.Linear(vertex_dim, out_dim, bias=False) -> W1 [out_dim, vertex_dim]
    #                 nn.Linear(in_dim, out_dim, bias=False)     -> W2 [out_dim, in_dim]
    b1 = 1.0 / np.sqrt(VERTEX_DIM)
    b2 = 1.0 / np.sqrt(IN_DIM)
    W1 = jax.random.uniform(k_w1, (OUT_DIM, VERTEX_DIM), dtype=jnp.float32, minval=-b1, maxval=b1)
    W2 = jax.random.uniform(k_w2, (OUT_DIM, IN_DIM), dtype=jnp.float32, minval=-b2, maxval=b2)
    return {"mu": mu, "x": x, "edge_index": edge_index, "W1": W1, "W2": W2}


def reference(mu, x, edge_index, W1, W2):
    # x = self.lin1(x)
    xh = x @ W1.T
    # mu_j = mu[edge_index[1, :], :]  (gather over source nodes)
    mu_j = jnp.take(mu, edge_index[1, :], axis=0)
    # mu_aggr = scatter_add(mu_j, edge_index[0, :], dim=0)
    mu_aggr = jax.ops.segment_sum(mu_j, edge_index[0, :], num_segments=mu.shape[0])
    # mu_aggr = self.lin2(mu_aggr)
    mu_aggr = mu_aggr @ W2.T
    return jax.nn.relu(xh + mu_aggr)

if __name__ == "__main__":
    import jax
    _d = setup_inputs()
    print(jax.jit(kernel)(*tuple(_d.values())))

</pallas_src>

<mosaic_0001>
#map = affine_map<(d0, d1) -> (0, 0)>
#map1 = affine_map<(d0, d1) -> (0, 0, 0)>
module attributes {stable_mosaic.version = 14 : i64} {
  func.func @_segsum_sc(%arg0: i32, %arg1: i32, %arg2: memref<10000x64xi32, #tpu.memory_space<hbm>>, %arg3: memref<2x2500x128xi32, #tpu.memory_space<hbm>>, %arg4: memref<632x128xf32, #tpu.memory_space<hbm>>, %arg5: memref<10000x128xf32, #tpu.memory_space<hbm>>, %arg6: memref<10000x128xf32, #tpu.memory_space<hbm>>, %arg7: memref<10112x128xf32, #tpu.memory_space<vmem_shared>>, %arg8: memref<80x128xi32, #tpu.memory_space<vmem>>, %arg9: memref<2x4x128xi32, #tpu.memory_space<vmem>>, %arg10: memref<2x128x64xi32, #tpu.memory_space<vmem>>, %arg11: memref<128x128xf32, #tpu.memory_space<vmem>>, %arg12: memref<2x!tpu.dma_semaphore, #tpu.memory_space<semaphore_mem>>, %arg13: memref<2x!tpu.dma_semaphore, #tpu.memory_space<semaphore_mem>>, %arg14: memref<!tpu.dma_semaphore, #tpu.memory_space<semaphore_mem>>) attributes {dimension_semantics = [#tpu.dimension_semantics<core_parallel>, #tpu.dimension_semantics<subcore_parallel>], iteration_bounds = array<i64: 2, 16>, scalar_prefetch = 0 : i64, scratch_operands = 8 : i64, tpu.core_type = #tpu.core_type<sc_vector_subcore>, window_params = [{transform_indices = #map}, {transform_indices = #map1}, {transform_indices = #map}, {transform_indices = #map}, {transform_indices = #map}]} {
    %mul3A = arith.constant 2 : i32
    %mul3A_0 = arith.muli %arg1, %mul3A : i32
    %add3A = arith.addi %mul3A_0, %arg0 : i32
    %mul3A_1 = arith.constant 80 : i32
    %mul3A_2 = arith.muli %add3A, %mul3A_1 : i32
    %eq3A = arith.constant 31 : i32
    %eq3A_3 = arith.cmpi eq, %add3A, %eq3A : i32
    %jit3A = arith.constant 20 : i32
    %jit3A_4 = arith.constant 80 : i32
    %select_n3A = arith.select %eq3A_3, %jit3A, %jit3A_4 : i32
    %jit3A_5 = arith.constant 5 : i32
    %jit3A_6 = arith.constant 20 : i32
    %select_n3A_7 = arith.select %eq3A_3, %jit3A_5, %jit3A_6 : i32
    %broadcast_in_dim3A = arith.constant -65536 : i32
    %broadcast_in_dim3A_8 = vector.broadcast %broadcast_in_dim3A : i32 to vector<16xi32>
    %add3A_9 = arith.constant 0 : i32
    %add3A_10 = arith.addi %mul3A_2, %add3A_9 : i32
    %dma_start3A = arith.constant 0 : i32
    %dma_start3A_11 = arith.constant 0 : i32
    %dma_start3A_12 = arith.constant 0 : i32
    %dma_start3A_13 = arith.constant 0 : i32
    %dma_start3A_14 = arith.constant 0 : i32
    %dma_start3A_15 = tpu.memref_slice %arg9[%dma_start3A_11, %dma_start3A_13, %dma_start3A_14] : memref<2x4x128xi32, #tpu.memory_space<vmem>> -> memref<1x4x128xi32, #tpu.memory_space<vmem>>
    %dma_start3A_16 = tpu.memref_squeeze %dma_start3A_15 : memref<1x4x128xi32, #tpu.memory_space<vmem>> -> memref<4x128xi32, #tpu.memory_space<vmem>>
    %dma_start3A_17 = arith.constant 0 : i32
    %dma_start3A_18 = tpu.memref_slice %arg3[%dma_start3A, %add3A_10, %dma_start3A_17] : memref<2x2500x128xi32, #tpu.memory_space<hbm>> -> memref<1x4x128xi32, #tpu.memory_space<hbm>>
    %dma_start3A_19 = tpu.memref_squeeze %dma_start3A_18 : memref<1x4x128xi32, #tpu.memory_space<hbm>> -> memref<4x128xi32, #tpu.memory_space<hbm>>
    %dma_start3A_20 = tpu.memref_slice %arg12[%dma_start3A_12] : memref<2x!tpu.dma_semaphore, #tpu.memory_space<semaphore_mem>> -> memref<1x!tpu.dma_semaphore, #tpu.memory_space<semaphore_mem>>
    %dma_start3A_21 = tpu.memref_squeeze %dma_start3A_20 : memref<1x!tpu.dma_semaphore, #tpu.memory_space<semaphore_mem>> -> memref<!tpu.dma_semaphore, #tpu.memory_space<semaphore_mem>>
    %dma_start3A_22 = arith.constant 0 : i32
    %dma_start3A_23 = arith.constant 0 : i32
    %dma_start3A_24 = tpu.memref_slice %arg9[%dma_start3A_11, %dma_start3A_22, %dma_start3A_23] : memref<2x4x128xi32, #tpu.memory_space<vmem>> -> memref<1x4x128xi32, #tpu.memory_space<vmem>>
    %dma_start3A_25 = tpu.memref_squeeze %dma_start3A_24 : memref<1x4x128xi32, #tpu.memory_space<vmem>> -> memref<4x128xi32, #tpu.memory_space<vmem>>
    %dma_start3A_26 = arith.constant 0 : i32
    %dma_start3A_27 = tpu.memref_slice %arg3[%dma_start3A, %add3A_10, %dma_start3A_26] : memref<2x2500x128xi32, #tpu.memory_space<hbm>> -> memref<1x4x128xi32, #tpu.memory_space<hbm>>
    %dma_start3A_28 = tpu.memref_squeeze %dma_start3A_27 : memref<1x4x128xi32, #tpu.memory_space<hbm>> -> memref<4x128xi32, #tpu.memory_space<hbm>>
    tpu.enqueue_dma source(%dma_start3A_28 : memref<4x128xi32, #tpu.memory_space<hbm>>) target(%dma_start3A_25 : memref<4x128xi32, #tpu.memory_space<vmem>>) target_semaphore(%dma_start3A_21 : memref<!tpu.dma_semaphore, #tpu.memory_space<semaphore_mem>>)
    %add3A_29 = arith.constant 4 : i32
    %add3A_30 = arith.addi %mul3A_2, %add3A_29 : i32
    %dma_start3A_31 = arith.constant 0 : i32
    %dma_start3A_32 = arith.constant 1 : i32
    %dma_start3A_33 = arith.constant 1 : i32
    %dma_start3A_34 = arith.constant 0 : i32
    %dma_start3A_35 = arith.constant 0 : i32
    %dma_start3A_36 = tpu.memref_slice %arg9[%dma_start3A_32, %dma_start3A_34, %dma_start3A_35] : memref<2x4x128xi32, #tpu.memory_space<vmem>> -> memref<1x4x128xi32, #tpu.memory_space<vmem>>
    %dma_start3A_37 = tpu.memref_squeeze %dma_start3A_36 : memref<1x4x128xi32, #tpu.memory_space<vmem>> -> memref<4x128xi32, #tpu.memory_space<vmem>>
    %dma_start3A_38 = arith.constant 0 : i32
    %dma_start3A_39 = tpu.memref_slice %arg3[%dma_start3A_31, %add3A_30, %dma_start3A_38] : memref<2x2500x128xi32, #tpu.memory_space<hbm>> -> memref<1x4x128xi32, #tpu.memory_space<hbm>>
    %dma_start3A_40 = tpu.memref_squeeze %dma_start3A_39 : memref<1x4x128xi32, #tpu.memory_space<hbm>> -> memref<4x128xi32, #tpu.memory_space<hbm>>
    %dma_start3A_41 = tpu.memref_slice %arg12[%dma_start3A_33] : memref<2x!tpu.dma_semaphore, #tpu.memory_space<semaphore_mem>> -> memref<1x!tpu.dma_semaphore, #tpu.memory_space<semaphore_mem>>
    %dma_start3A_42 = tpu.memref_squeeze %dma_start3A_41 : memref<1x!tpu.dma_semaphore, #tpu.memory_space<semaphore_mem>> -> memref<!tpu.dma_semaphore, #tpu.memory_space<semaphore_mem>>
    %dma_start3A_43 = arith.constant 0 : i32
    %dma_start3A_44 = arith.constant 0 : i32
    %dma_start3A_45 = tpu.memref_slice %arg9[%dma_start3A_32, %dma_start3A_43, %dma_start3A_44] : memref<2x4x128xi32, #tpu.memory_space<vmem>> -> memref<1x4x128xi32, #tpu.memory_space<vmem>>
    %dma_start3A_46 = tpu.memref_squeeze %dma_start3A_45 : memref<1x4x128xi32, #tpu.memory_space<vmem>> -> memref<4x128xi32, #tpu.memory_space<vmem>>
    %dma_start3A_47 = arith.constant 0 : i32
    %dma_start3A_48 = tpu.memref_slice %arg3[%dma_start3A_31, %add3A_30, %dma_start3A_47] : memref<2x2500x128xi32, #tpu.memory_space<hbm>> -> memref<1x4x128xi32, #tpu.memory_space<hbm>>
    %dma_start3A_49 = tpu.memref_squeeze %dma_start3A_48 : memref<1x4x128xi32, #tpu.memory_space<hbm>> -> memref<4x128xi32, #tpu.memory_space<hbm>>
    tpu.enqueue_dma source(%dma_start3A_49 : memref<4x128xi32, #tpu.memory_space<hbm>>) target(%dma_start3A_46 : memref<4x128xi32, #tpu.memory_space<vmem>>) target_semaphore(%dma_start3A_42 : memref<!tpu.dma_semaphore, #tpu.memory_space<semaphore_mem>>)
    %not3A = arith.constant true
    %not3A_50 = arith.xori %eq3A_3, %not3A : i1
    %convert_element_type3A = arith.extui %not3A_50 : i1 to i32
    %cond3A = arith.constant 0 : i32
    %cond3A_51 = arith.cmpi ne, %convert_element_type3A, %cond3A : i32
    scf.if %cond3A_51 {
      %run_scoped3A = arith.constant 1 : i32
      "tpu.region"() ({
        %run_scoped3A_249 = tpu.sem_alloc : memref<!tpu.dma_semaphore, #tpu.memory_space<semaphore_mem>>
        %dma_start3A_250 = arith.constant 0 : i32
        %dma_start3A_251 = tpu.memref_slice %arg3[%run_scoped3A, %mul3A_2, %dma_start3A_250] : memref<2x2500x128xi32, #tpu.memory_space<hbm>> -> memref<1x80x128xi32, #tpu.memory_space<hbm>>
        %dma_start3A_252 = tpu.memref_squeeze %dma_start3A_251 : memref<1x80x128xi32, #tpu.memory_space<hbm>> -> memref<80x128xi32, #tpu.memory_space<hbm>>
        %dma_start3A_253 = arith.constant 0 : i32
        %dma_start3A_254 = tpu.memref_slice %arg3[%run_scoped3A, %mul3A_2, %dma_start3A_253] : memref<2x2500x128xi32, #tpu.memory_space<hbm>> -> memref<1x80x128xi32, #tpu.memory_space<hbm>>
        %dma_start3A_255 = tpu.memref_squeeze %dma_start3A_254 : memref<1x80x128xi32, #tpu.memory_space<hbm>> -> memref<80x128xi32, #tpu.memory_space<hbm>>
        tpu.enqueue_dma source(%dma_start3A_255 : memref<80x128xi32, #tpu.memory_space<hbm>>) target(%arg8 : memref<80x128xi32, #tpu.memory_space<vmem>>) target_semaphore(%run_scoped3A_249 : memref<!tpu.dma_semaphore, #tpu.memory_space<semaphore_mem>>)
        %dma_wait3A_256 = arith.constant 0 : i32
        %dma_wait3A_257 = tpu.memref_slice %arg3[%run_scoped3A, %mul3A_2, %dma_wait3A_256] : memref<2x2500x128xi32, #tpu.memory_space<hbm>> -> memref<1x80x128xi32, #tpu.memory_space<hbm>>
        %dma_wait3A_258 = tpu.memref_squeeze %dma_wait3A_257 : memref<1x80x128xi32, #tpu.memory_space<hbm>> -> memref<80x128xi32, #tpu.memory_space<hbm>>
        %dma_wait3A_259 = arith.constant 0 : i32
        %dma_wait3A_260 = tpu.memref_slice %arg3[%run_scoped3A, %mul3A_2, %dma_wait3A_259] : memref<2x2500x128xi32, #tpu.memory_space<hbm>> -> memref<1x80x128xi32, #tpu.memory_space<hbm>>
        %dma_wait3A_261 = tpu.memref_squeeze %dma_wait3A_260 : memref<1x80x128xi32, #tpu.memory_space<hbm>> -> memref<80x128xi32, #tpu.memory_space<hbm>>
        tpu.wait_dma2 semaphore(%run_scoped3A_249 : memref<!tpu.dma_semaphore, #tpu.memory_space<semaphore_mem>>) src(%dma_wait3A_261 : memref<80x128xi32, #tpu.memory_space<hbm>>) dst(%arg8 : memref<80x128xi32, #tpu.memory_space<vmem>>)
        tpu.yield
      }) : () -> ()
    } else {
    }
    %convert_element_type3A_52 = arith.extui %eq3A_3 : i1 to i32
    %cond3A_53 = arith.constant 0 : i32
    %cond3A_54 = arith.cmpi ne, %convert_element_type3A_52, %cond3A_53 : i32
    scf.if %cond3A_54 {
      %run_scoped3A = arith.constant 1 : i32
      "tpu.region"() ({
        %run_scoped3A_249 = tpu.sem_alloc : memref<!tpu.dma_semaphore, #tpu.memory_space<semaphore_mem>>
        %dma_start3A_250 = arith.constant 0 : i32
        %dma_start3A_251 = arith.constant 0 : i32
        %dma_start3A_252 = tpu.memref_slice %arg8[%dma_start3A_250, %dma_start3A_251] : memref<80x128xi32, #tpu.memory_space<vmem>> -> memref<20x128xi32, #tpu.memory_space<vmem>>
        %dma_start3A_253 = arith.constant 0 : i32
        %dma_start3A_254 = tpu.memref_slice %arg3[%run_scoped3A, %mul3A_2, %dma_start3A_253] : memref<2x2500x128xi32, #tpu.memory_space<hbm>> -> memref<1x20x128xi32, #tpu.memory_space<hbm>>
        %dma_start3A_255 = tpu.memref_squeeze %dma_start3A_254 : memref<1x20x128xi32, #tpu.memory_space<hbm>> -> memref<20x128xi32, #tpu.memory_space<hbm>>
        %dma_start3A_256 = arith.constant 0 : i32
        %dma_start3A_257 = arith.constant 0 : i32
        %dma_start3A_258 = tpu.memref_slice %arg8[%dma_start3A_256, %dma_start3A_257] : memref<80x128xi32, #tpu.memory_space<vmem>> -> memref<20x128xi32, #tpu.memory_space<vmem>>
        %dma_start3A_259 = arith.constant 0 : i32
        %dma_start3A_260 = tpu.memref_slice %arg3[%run_scoped3A, %mul3A_2, %dma_start3A_259] : memref<2x2500x128xi32, #tpu.memory_space<hbm>> -> memref<1x20x128xi32, #tpu.memory_space<hbm>>
        %dma_start3A_261 = tpu.memref_squeeze %dma_start3A_260 : memref<1x20x128xi32, #tpu.memory_space<hbm>> -> memref<20x128xi32, #tpu.memory_space<hbm>>
        tpu.enqueue_dma source(%dma_start3A_261 : memref<20x128xi32, #tpu.memory_space<hbm>>) target(%dma_start3A_258 : memref<20x128xi32, #tpu.memory_space<vmem>>) target_semaphore(%run_scoped3A_249 : memref<!tpu.dma_semaphore, #tpu.memory_space<semaphore_mem>>)
        %dma_wait3A_262 = arith.constant 0 : i32
        %dma_wait3A_263 = arith.constant 0 : i32
        %dma_wait3A_264 = tpu.memref_slice %arg8[%dma_wait3A_262, %dma_wait3A_263] : memref<80x128xi32, #tpu.memory_space<vmem>> -> memref<20x128xi32, #tpu.memory_space<vmem>>
        %dma_wait3A_265 = arith.constant 0 : i32
        %dma_wait3A_266 = tpu.memref_slice %arg3[%run_scoped3A, %mul3A_2, %dma_wait3A_265] : memref<2x2500x128xi32, #tpu.memory_space<hbm>> -> memref<1x20x128xi32, #tpu.memory_space<hbm>>
        %dma_wait3A_267 = tpu.memref_squeeze %dma_wait3A_266 : memref<1x20x128xi32, #tpu.memory_space<hbm>> -> memref<20x128xi32, #tpu.memory_space<hbm>>
        %dma_wait3A_268 = arith.constant 0 : i32
        %dma_wait3A_269 = arith.constant 0 : i32
        %dma_wait3A_270 = tpu.memref_slice %arg8[%dma_wait3A_268, %dma_wait3A_269] : memref<80x128xi32, #tpu.memory_space<vmem>> -> memref<20x128xi32, #tpu.memory_space<vmem>>
        %dma_wait3A_271 = arith.constant 0 : i32
        %dma_wait3A_272 = tpu.memref_slice %arg3[%run_scoped3A, %mul3A_2, %dma_wait3A_271] : memref<2x2500x128xi32, #tpu.memory_space<hbm>> -> memref<1x20x128xi32, #tpu.memory_space<hbm>>
        %dma_wait3A_273 = tpu.memref_squeeze %dma_wait3A_272 : memref<1x20x128xi32, #tpu.memory_space<hbm>> -> memref<20x128xi32, #tpu.memory_space<hbm>>
        tpu.wait_dma2 semaphore(%run_scoped3A_249 : memref<!tpu.dma_semaphore, #tpu.memory_space<semaphore_mem>>) src(%dma_wait3A_273 : memref<20x128xi32, #tpu.memory_space<hbm>>) dst(%dma_wait3A_270 : memref<20x128xi32, #tpu.memory_space<vmem>>)
        tpu.yield
      }) : () -> ()
    } else {
    }
    %mul3A_55 = arith.constant 632 : i32
    %mul3A_56 = arith.muli %arg1, %mul3A_55 : i32
    "tpu.region"() ({
      %run_scoped3A = tpu.sem_alloc : memref<!tpu.dma_semaphore, #tpu.memory_space<semaphore_mem>>
      %dma_start3A_249 = arith.constant 0 : i32
      %dma_start3A_250 = tpu.memref_slice %arg7[%mul3A_56, %dma_start3A_249] : memref<10112x128xf32, #tpu.memory_space<vmem_shared>> -> memref<632x128xf32, #tpu.memory_space<vmem_shared>>
      tpu.enqueue_dma source(%arg4 : memref<632x128xf32, #tpu.memory_space<hbm>>) target(%dma_start3A_250 : memref<632x128xf32, #tpu.memory_space<vmem_shared>>) target_semaphore(%run_scoped3A : memref<!tpu.dma_semaphore, #tpu.memory_space<semaphore_mem>>)
      %dma_wait3A_251 = arith.constant 0 : i32
      %dma_wait3A_252 = tpu.memref_slice %arg7[%mul3A_56, %dma_wait3A_251] : memref<10112x128xf32, #tpu.memory_space<vmem_shared>> -> memref<632x128xf32, #tpu.memory_space<vmem_shared>>
      tpu.wait_dma2 semaphore(%run_scoped3A : memref<!tpu.dma_semaphore, #tpu.memory_space<semaphore_mem>>) src(%arg4 : memref<632x128xf32, #tpu.memory_space<hbm>>) dst(%dma_wait3A_252 : memref<632x128xf32, #tpu.memory_space<vmem_shared>>)
      tpu.yield
    }) : () -> ()
    %barrier3A = arith.constant 0 : index
    tpu.barrier barrier_id(%barrier3A)
    %dma_start3A_57 = arith.constant 0 : i32
    %dma_start3A_58 = arith.constant 0 : i32
    %dma_start3A_59 = arith.constant 0 : i32
    %dma_start3A_60 = arith.constant 0 : i32
    %dma_start3A_61 = arith.constant 0 : i32
    %dma_start3A_62 = tpu.memref_slice %arg10[%dma_start3A_58, %dma_start3A_60, %dma_start3A_61] : memref<2x128x64xi32, #tpu.memory_space<vmem>> -> memref<1x128x64xi32, #tpu.memory_space<vmem>>
    %dma_start3A_63 = tpu.memref_squeeze %dma_start3A_62 : memref<1x128x64xi32, #tpu.memory_space<vmem>> -> memref<128x64xi32, #tpu.memory_space<vmem>>
    %dma_start3A_64 = arith.constant 0 : i32
    %dma_start3A_65 = tpu.memref_slice %arg8[%dma_start3A_57, %dma_start3A_64] : memref<80x128xi32, #tpu.memory_space<vmem>> -> memref<1x128xi32, #tpu.memory_space<vmem>>
    %dma_start3A_66 = tpu.memref_squeeze %dma_start3A_65 : memref<1x128xi32, #tpu.memory_space<vmem>> -> memref<128xi32, #tpu.memory_space<vmem>>
    %dma_start3A_67 = arith.constant 0 : i32
    %dma_start3A_68 = arith.constant 0 : i32
    %dma_start3A_69 = tpu.memref_slice %arg2[%dma_start3A_67, %dma_start3A_68] : memref<10000x64xi32, #tpu.memory_space<hbm>> -> memref<10000x64xi32, #tpu.memory_space<hbm>>
    %dma_start3A_70 = tpu.memref_slice %arg13[%dma_start3A_59] : memref<2x!tpu.dma_semaphore, #tpu.memory_space<semaphore_mem>> -> memref<1x!tpu.dma_semaphore, #tpu.memory_space<semaphore_mem>>
    %dma_start3A_71 = tpu.memref_squeeze %dma_start3A_70 : memref<1x!tpu.dma_semaphore, #tpu.memory_space<semaphore_mem>> -> memref<!tpu.dma_semaphore, #tpu.memory_space<semaphore_mem>>
    tpu.enqueue_indirect_dma source(%dma_start3A_69 : memref<10000x64xi32, #tpu.memory_space<hbm>>) target(%dma_start3A_63 : memref<128x64xi32, #tpu.memory_space<vmem>>) offsets(%dma_start3A_66 : memref<128xi32, #tpu.memory_space<vmem>>) semaphore(%dma_start3A_71 : memref<!tpu.dma_semaphore, #tpu.memory_space<semaphore_mem>>)
    %dma_start3A_72 = arith.constant 1 : i32
    %dma_start3A_73 = arith.constant 1 : i32
    %dma_start3A_74 = arith.constant 1 : i32
    %dma_start3A_75 = arith.constant 0 : i32
    %dma_start3A_76 = arith.constant 0 : i32
    %dma_start3A_77 = tpu.memref_slice %arg10[%dma_start3A_73, %dma_start3A_75, %dma_start3A_76] : memref<2x128x64xi32, #tpu.memory_space<vmem>> -> memref<1x128x64xi32, #tpu.memory_space<vmem>>
    %dma_start3A_78 = tpu.memref_squeeze %dma_start3A_77 : memref<1x128x64xi32, #tpu.memory_space<vmem>> -> memref<128x64xi32, #tpu.memory_space<vmem>>
    %dma_start3A_79 = arith.constant 0 : i32
    %dma_start3A_80 = tpu.memref_slice %arg8[%dma_start3A_72, %dma_start3A_79] : memref<80x128xi32, #tpu.memory_space<vmem>> -> memref<1x128xi32, #tpu.memory_space<vmem>>
    %dma_start3A_81 = tpu.memref_squeeze %dma_start3A_80 : memref<1x128xi32, #tpu.memory_space<vmem>> -> memref<128xi32, #tpu.memory_space<vmem>>
    %dma_start3A_82 = arith.constant 0 : i32
    %dma_start3A_83 = arith.constant 0 : i32
    %dma_start3A_84 = tpu.memref_slice %arg2[%dma_start3A_82, %dma_start3A_83] : memref<10000x64xi32, #tpu.memory_space<hbm>> -> memref<10000x64xi32, #tpu.memory_space<hbm>>
    %dma_start3A_85 = tpu.memref_slice %arg13[%dma_start3A_74] : memref<2x!tpu.dma_semaphore, #tpu.memory_space<semaphore_mem>> -> memref<1x!tpu.dma_semaphore, #tpu.memory_space<semaphore_mem>>
    %dma_start3A_86 = tpu.memref_squeeze %dma_start3A_85 : memref<1x!tpu.dma_semaphore, #tpu.memory_space<semaphore_mem>> -> memref<!tpu.dma_semaphore, #tpu.memory_space<semaphore_mem>>
    tpu.enqueue_indirect_dma source(%dma_start3A_84 : memref<10000x64xi32, #tpu.memory_space<hbm>>) target(%dma_start3A_78 : memref<128x64xi32, #tpu.memory_space<vmem>>) offsets(%dma_start3A_81 : memref<128xi32, #tpu.memory_space<vmem>>) semaphore(%dma_start3A_86 : memref<!tpu.dma_semaphore, #tpu.memory_space<semaphore_mem>>)
    %add3A_87 = arith.constant 0 : i32
    %add3A_88 = arith.addi %mul3A_2, %add3A_87 : i32
    %dma_wait3A = arith.constant 0 : i32
    %dma_wait3A_89 = arith.constant 0 : i32
    %dma_wait3A_90 = arith.constant 0 : i32
    %dma_wait3A_91 = arith.constant 0 : i32
    %dma_wait3A_92 = arith.constant 0 : i32
    %dma_wait3A_93 = tpu.memref_slice %arg9[%dma_wait3A_89, %dma_wait3A_91, %dma_wait3A_92] : memref<2x4x128xi32, #tpu.memory_space<vmem>> -> memref<1x4x128xi32, #tpu.memory_space<vmem>>
    %dma_wait3A_94 = tpu.memref_squeeze %dma_wait3A_93 : memref<1x4x128xi32, #tpu.memory_space<vmem>> -> memref<4x128xi32, #tpu.memory_space<vmem>>
    %dma_wait3A_95 = arith.constant 0 : i32
    %dma_wait3A_96 = tpu.memref_slice %arg3[%dma_wait3A, %add3A_88, %dma_wait3A_95] : memref<2x2500x128xi32, #tpu.memory_space<hbm>> -> memref<1x4x128xi32, #tpu.memory_space<hbm>>
    %dma_wait3A_97 = tpu.memref_squeeze %dma_wait3A_96 : memref<1x4x128xi32, #tpu.memory_space<hbm>> -> memref<4x128xi32, #tpu.memory_space<hbm>>
    %dma_wait3A_98 = tpu.memref_slice %arg12[%dma_wait3A_90] : memref<2x!tpu.dma_semaphore, #tpu.memory_space<semaphore_mem>> -> memref<1x!tpu.dma_semaphore, #tpu.memory_space<semaphore_mem>>
    %dma_wait3A_99 = tpu.memref_squeeze %dma_wait3A_98 : memref<1x!tpu.dma_semaphore, #tpu.memory_space<semaphore_mem>> -> memref<!tpu.dma_semaphore, #tpu.memory_space<semaphore_mem>>
    %dma_wait3A_100 = arith.constant 0 : i32
    %dma_wait3A_101 = arith.constant 0 : i32
    %dma_wait3A_102 = tpu.memref_slice %arg9[%dma_wait3A_89, %dma_wait3A_100, %dma_wait3A_101] : memref<2x4x128xi32, #tpu.memory_space<vmem>> -> memref<1x4x128xi32, #tpu.memory_space<vmem>>
    %dma_wait3A_103 = tpu.memref_squeeze %dma_wait3A_102 : memref<1x4x128xi32, #tpu.memory_space<vmem>> -> memref<4x128xi32, #tpu.memory_space<vmem>>
    %dma_wait3A_104 = arith.constant 0 : i32
    %dma_wait3A_105 = tpu.memref_slice %arg3[%dma_wait3A, %add3A_88, %dma_wait3A_104] : memref<2x2500x128xi32, #tpu.memory_space<hbm>> -> memref<1x4x128xi32, #tpu.memory_space<hbm>>
    %dma_wait3A_106 = tpu.memref_squeeze %dma_wait3A_105 : memref<1x4x128xi32, #tpu.memory_space<hbm>> -> memref<4x128xi32, #tpu.memory_space<hbm>>
    tpu.wait_dma2 semaphore(%dma_wait3A_99 : memref<!tpu.dma_semaphore, #tpu.memory_space<semaphore_mem>>) src(%dma_wait3A_106 : memref<4x128xi32, #tpu.memory_space<hbm>>) dst(%dma_wait3A_103 : memref<4x128xi32, #tpu.memory_space<vmem>>)
    %dma_wait3A_107 = arith.constant 0 : i32
    %dma_wait3A_108 = arith.constant 0 : i32
    %dma_wait3A_109 = arith.constant 0 : i32
    %dma_wait3A_110 = arith.constant 0 : i32
    %dma_wait3A_111 = arith.constant 0 : i32
    %dma_wait3A_112 = tpu.memref_slice %arg10[%dma_wait3A_108, %dma_wait3A_110, %dma_wait3A_111] : memref<2x128x64xi32, #tpu.memory_space<vmem>> -> memref<1x128x64xi32, #tpu.memory_space<vmem>>
    %dma_wait3A_113 = tpu.memref_squeeze %dma_wait3A_112 : memref<1x128x64xi32, #tpu.memory_space<vmem>> -> memref<128x64xi32, #tpu.memory_space<vmem>>
    %dma_wait3A_114 = arith.constant 0 : i32
    %dma_wait3A_115 = tpu.memref_slice %arg8[%dma_wait3A_107, %dma_wait3A_114] : memref<80x128xi32, #tpu.memory_space<vmem>> -> memref<1x128xi32, #tpu.memory_space<vmem>>
    %dma_wait3A_116 = tpu.memref_squeeze %dma_wait3A_115 : memref<1x128xi32, #tpu.memory_space<vmem>> -> memref<128xi32, #tpu.memory_space<vmem>>
    %dma_wait3A_117 = arith.constant 0 : i32
    %dma_wait3A_118 = arith.constant 0 : i32
    %dma_wait3A_119 = tpu.memref_slice %arg2[%dma_wait3A_117, %dma_wait3A_118] : memref<10000x64xi32, #tpu.memory_space<hbm>> -> memref<10000x64xi32, #tpu.memory_space<hbm>>
    %dma_wait3A_120 = tpu.memref_slice %arg13[%dma_wait3A_109] : memref<2x!tpu.dma_semaphore, #tpu.memory_space<semaphore_mem>> -> memref<1x!tpu.dma_semaphore, #tpu.memory_space<semaphore_mem>>
    %dma_wait3A_121 = tpu.memref_squeeze %dma_wait3A_120 : memref<1x!tpu.dma_semaphore, #tpu.memory_space<semaphore_mem>> -> memref<!tpu.dma_semaphore, #tpu.memory_space<semaphore_mem>>
    tpu.wait_indirect_dma semaphore(%dma_wait3A_121 : memref<!tpu.dma_semaphore, #tpu.memory_space<semaphore_mem>>) src(%dma_wait3A_119 : memref<10000x64xi32, #tpu.memory_space<hbm>>) dst(%dma_wait3A_113 : memref<128x64xi32, #tpu.memory_space<vmem>>)
    %scan3A = arith.constant 0 : i32
    %scan3A_122 = arith.constant 0 : i32
    %scan3A_123 = arith.constant 128 : i32
    %scan3A_124 = arith.addi %scan3A_122, %scan3A_123 : i32
    %scan3A_125 = arith.constant 1 : i32
    scf.for %scan3A_249 = %scan3A_122 to %scan3A_124 step %scan3A_125  : i32 {
      %get3A = arith.constant 0 : i32
      %get3A_250 = arith.index_cast %get3A : i32 to index
      %get3A_251 = arith.index_cast %scan3A_249 : i32 to index
      %get3A_252 = arith.constant 0 : index
      %get3A_253 = tpu.vector_load %arg10[%get3A_250, %get3A_251, %get3A_252] {strides = array<i32>} : memref<2x128x64xi32, #tpu.memory_space<vmem>>, vector<1x1x16xi32>,
      %get3A_254 = vector.shape_cast %get3A_253 : vector<1x1x16xi32> to vector<16xi32>
      %shift_left3A = arith.constant 16 : i32
      %shift_left3A_255 = vector.broadcast %shift_left3A : i32 to vector<16xi32>
      %shift_left3A_256 = arith.shli %get3A_254, %shift_left3A_255 : vector<16xi32>
      %bitcast_convert_type3A = tpu.bitcast %shift_left3A_256 : vector<16xi32> -> vector<16xf32>
      %and3A_257 = arith.andi %get3A_254, %broadcast_in_dim3A_8 : vector<16xi32>
      %bitcast_convert_type3A_258 = tpu.bitcast %and3A_257 : vector<16xi32> -> vector<16xf32>
      %swap3A = arith.index_cast %scan3A_249 : i32 to index
      %swap3A_259 = arith.constant 0 : index
      %swap3A_260 = tpu.vector_load %arg11[%swap3A, %swap3A_259] {strides = array<i32>} : memref<128x128xf32, #tpu.memory_space<vmem>>, vector<1x16xf32>,
      %swap3A_261 = vector.shape_cast %swap3A_260 : vector<1x16xf32> to vector<16xf32>
      %swap3A_262 = vector.shape_cast %bitcast_convert_type3A : vector<16xf32> to vector<1x16xf32>
      tpu.vector_store %arg11[%swap3A, %swap3A_259], %swap3A_262 {strides = array<i32>} : memref<128x128xf32, #tpu.memory_space<vmem>>, vector<1x16xf32>,
      %swap3A_263 = arith.index_cast %scan3A_249 : i32 to index
      %swap3A_264 = arith.constant 16 : index
      %swap3A_265 = tpu.vector_load %arg11[%swap3A_263, %swap3A_264] {strides = array<i32>} : memref<128x128xf32, #tpu.memory_space<vmem>>, vector<1x16xf32>,
      %swap3A_266 = vector.shape_cast %swap3A_265 : vector<1x16xf32> to vector<16xf32>
      %swap3A_267 = vector.shape_cast %bitcast_convert_type3A_258 : vector<16xf32> to vector<1x16xf32>
      tpu.vector_store %arg11[%swap3A_263, %swap3A_264], %swap3A_267 {strides = array<i32>} : memref<128x128xf32, #tpu.memory_space<vmem>>, vector<1x16xf32>,
      %get3A_268 = arith.constant 0 : i32
      %get3A_269 = arith.index_cast %get3A_268 : i32 to index
      %get3A_270 = arith.index_cast %scan3A_249 : i32 to index
      %get3A_271 = arith.constant 16 : index
      %get3A_272 = tpu.vector_load %arg10[%get3A_269, %get3A_270, %get3A_271] {strides = array<i32>} : memref<2x128x64xi32, #tpu.memory_space<vmem>>, vector<1x1x16xi32>,
      %get3A_273 = vector.shape_cast %get3A_272 : vector<1x1x16xi32> to vector<16xi32>
      %shift_left3A_274 = arith.constant 16 : i32
      %shift_left3A_275 = vector.broadcast %shift_left3A_274 : i32 to vector<16xi32>
      %shift_left3A_276 = arith.shli %get3A_273, %shift_left3A_275 : vector<16xi32>
      %bitcast_convert_type3A_277 = tpu.bitcast %shift_left3A_276 : vector<16xi32> -> vector<16xf32>
      %and3A_278 = arith.andi %get3A_273, %broadcast_in_dim3A_8 : vector<16xi32>
      %bitcast_convert_type3A_279 = tpu.bitcast %and3A_278 : vector<16xi32> -> vector<16xf32>
      %swap3A_280 = arith.index_cast %scan3A_249 : i32 to index
      %swap3A_281 = arith.constant 32 : index
      %swap3A_282 = tpu.vector_load %arg11[%swap3A_280, %swap3A_281] {strides = array<i32>} : memref<128x128xf32, #tpu.memory_space<vmem>>, vector<1x16xf32>,
      %swap3A_283 = vector.shape_cast %swap3A_282 : vector<1x16xf32> to vector<16xf32>
      %swap3A_284 = vector.shape_cast %bitcast_convert_type3A_277 : vector<16xf32> to vector<1x16xf32>
      tpu.vector_store %arg11[%swap3A_280, %swap3A_281], %swap3A_284 {strides = array<i32>} : memref<128x128xf32, #tpu.memory_space<vmem>>, vector<1x16xf32>,
      %swap3A_285 = arith.index_cast %scan3A_249 : i32 to index
      %swap3A_286 = arith.constant 48 : index
      %swap3A_287 = tpu.vector_load %arg11[%swap3A_285, %swap3A_286] {strides = array<i32>} : memref<128x128xf32, #tpu.memory_space<vmem>>, vector<1x16xf32>,
      %swap3A_288 = vector.shape_cast %swap3A_287 : vector<1x16xf32> to vector<16xf32>
      %swap3A_289 = vector.shape_cast %bitcast_convert_type3A_279 : vector<16xf32> to vector<1x16xf32>
      tpu.vector_store %arg11[%swap3A_285, %swap3A_286], %swap3A_289 {strides = array<i32>} : memref<128x128xf32, #tpu.memory_space<vmem>>, vector<1x16xf32>,
      %get3A_290 = arith.constant 0 : i32
      %get3A_291 = arith.index_cast %get3A_290 : i32 to index
      %get3A_292 = arith.index_cast %scan3A_249 : i32 to index
      %get3A_293 = arith.constant 32 : index
      %get3A_294 = tpu.vector_load %arg10[%get3A_291, %get3A_292, %get3A_293] {strides = array<i32>} : memref<2x128x64xi32, #tpu.memory_space<vmem>>, vector<1x1x16xi32>,
      %get3A_295 = vector.shape_cast %get3A_294 : vector<1x1x16xi32> to vector<16xi32>
      %shift_left3A_296 = arith.constant 16 : i32
      %shift_left3A_297 = vector.broadcast %shift_left3A_296 : i32 to vector<16xi32>
      %shift_left3A_298 = arith.shli %get3A_295, %shift_left3A_297 : vector<16xi32>
      %bitcast_convert_type3A_299 = tpu.bitcast %shift_left3A_298 : vector<16xi32> -> vector<16xf32>
      %and3A_300 = arith.andi %get3A_295, %broadcast_in_dim3A_8 : vector<16xi32>
      %bitcast_convert_type3A_301 = tpu.bitcast %and3A_300 : vector<16xi32> -> vector<16xf32>
      %swap3A_302 = arith.index_cast %scan3A_249 : i32 to index
      %swap3A_303 = arith.constant 64 : index
      %swap3A_304 = tpu.vector_load %arg11[%swap3A_302, %swap3A_303] {strides = array<i32>} : memref<128x128xf32, #tpu.memory_space<vmem>>, vector<1x16xf32>,
      %swap3A_305 = vector.shape_cast %swap3A_304 : vector<1x16xf32> to vector<16xf32>
      %swap3A_306 = vector.shape_cast %bitcast_convert_type3A_299 : vector<16xf32> to vector<1x16xf32>
      tpu.vector_store %arg11[%swap3A_302, %swap3A_303], %swap3A_306 {strides = array<i32>} : memref<128x128xf32, #tpu.memory_space<vmem>>, vector<1x16xf32>,
      %swap3A_307 = arith.index_cast %scan3A_249 : i32 to index
      %swap3A_308 = arith.constant 80 : index
      %swap3A_309 = tpu.vector_load %arg11[%swap3A_307, %swap3A_308] {strides = array<i32>} : memref<128x128xf32, #tpu.memory_space<vmem>>, vector<1x16xf32>,
      %swap3A_310 = vector.shape_cast %swap3A_309 : vector<1x16xf32> to vector<16xf32>
      %swap3A_311 = vector.shape_cast %bitcast_convert_type3A_301 : vector<16xf32> to vector<1x16xf32>
      tpu.vector_store %arg11[%swap3A_307, %swap3A_308], %swap3A_311 {strides = array<i32>} : memref<128x128xf32, #tpu.memory_space<vmem>>, vector<1x16xf32>,
      %get3A_312 = arith.constant 0 : i32
      %get3A_313 = arith.index_cast %get3A_312 : i32 to index
      %get3A_314 = arith.index_cast %scan3A_249 : i32 to index
      %get3A_315 = arith.constant 48 : index
      %get3A_316 = tpu.vector_load %arg10[%get3A_313, %get3A_314, %get3A_315] {strides = array<i32>} : memref<2x128x64xi32, #tpu.memory_space<vmem>>, vector<1x1x16xi32>,
      %get3A_317 = vector.shape_cast %get3A_316 : vector<1x1x16xi32> to vector<16xi32>
      %shift_left3A_318 = arith.constant 16 : i32
      %shift_left3A_319 = vector.broadcast %shift_left3A_318 : i32 to vector<16xi32>
      %shift_left3A_320 = arith.shli %get3A_317, %shift_left3A_319 : vector<16xi32>
      %bitcast_convert_type3A_321 = tpu.bitcast %shift_left3A_320 : vector<16xi32> -> vector<16xf32>
      %and3A_322 = arith.andi %get3A_317, %broadcast_in_dim3A_8 : vector<16xi32>
      %bitcast_convert_type3A_323 = tpu.bitcast %and3A_322 : vector<16xi32> -> vector<16xf32>
      %swap3A_324 = arith.index_cast %scan3A_249 : i32 to index
      %swap3A_325 = arith.constant 96 : index
      %swap3A_326 = tpu.vector_load %arg11[%swap3A_324, %swap3A_325] {strides = array<i32>} : memref<128x128xf32, #tpu.memory_space<vmem>>, vector<1x16xf32>,
      %swap3A_327 = vector.shape_cast %swap3A_326 : vector<1x16xf32> to vector<16xf32>
      %swap3A_328 = vector.shape_cast %bitcast_convert_type3A_321 : vector<16xf32> to vector<1x16xf32>
      tpu.vector_store %arg11[%swap3A_324, %swap3A_325], %swap3A_328 {strides = array<i32>} : memref<128x128xf32, #tpu.memory_space<vmem>>, vector<1x16xf32>,
      %swap3A_329 = arith.index_cast %scan3A_249 : i32 to index
      %swap3A_330 = arith.constant 112 : index
      %swap3A_331 = tpu.vector_load %arg11[%swap3A_329, %swap3A_330] {strides = array<i32>} : memref<128x128xf32, #tpu.memory_space<vmem>>, vector<1x16xf32>,
      %swap3A_332 = vector.shape_cast %swap3A_331 : vector<1x16xf32> to vector<16xf32>
      %swap3A_333 = vector.shape_cast %bitcast_convert_type3A_323 : vector<16xf32> to vector<1x16xf32>
      tpu.vector_store %arg11[%swap3A_329, %swap3A_330], %swap3A_333 {strides = array<i32>} : memref<128x128xf32, #tpu.memory_space<vmem>>, vector<1x16xf32>,
    }
    %scan3A_126 = arith.constant 128 : i32
    %dma_start3A_127 = arith.constant 0 : i32
    %dma_start3A_128 = arith.constant 0 : i32
    %dma_start3A_129 = arith.constant 0 : i32
    %dma_start3A_130 = tpu.memref_slice %arg9[%dma_start3A_127, %dma_start3A_128, %dma_start3A_129] : memref<2x4x128xi32, #tpu.memory_space<vmem>> -> memref<1x1x128xi32, #tpu.memory_space<vmem>>
    %dma_start3A_131 = tpu.memref_squeeze %dma_start3A_130 : memref<1x1x128xi32, #tpu.memory_space<vmem>> -> memref<128xi32, #tpu.memory_space<vmem>>
    %dma_start3A_132 = arith.constant 0 : i32
    %dma_start3A_133 = arith.constant 0 : i32
    %dma_start3A_134 = tpu.memref_slice %arg7[%dma_start3A_132, %dma_start3A_133] : memref<10112x128xf32, #tpu.memory_space<vmem_shared>> -> memref<10112x128xf32, #tpu.memory_space<vmem_shared>>
    tpu.enqueue_indirect_dma source(%arg11 : memref<128x128xf32, #tpu.memory_space<vmem>>) target(%dma_start3A_134 : memref<10112x128xf32, #tpu.memory_space<vmem_shared>>) offsets(%dma_start3A_131 : memref<128xi32, #tpu.memory_space<vmem>>) semaphore(%arg14 : memref<!tpu.dma_semaphore, #tpu.memory_space<semaphore_mem>>) {add = true}
    %dma_start3A_135 = arith.constant 2 : i32
    %dma_start3A_136 = arith.constant 0 : i32
    %dma_start3A_137 = arith.constant 0 : i32
    %dma_start3A_138 = arith.constant 0 : i32
    %dma_start3A_139 = arith.constant 0 : i32
    %dma_start3A_140 = tpu.memref_slice %arg10[%dma_start3A_136, %dma_start3A_138, %dma_start3A_139] : memref<2x128x64xi32, #tpu.memory_space<vmem>> -> memref<1x128x64xi32, #tpu.memory_space<vmem>>
    %dma_start3A_141 = tpu.memref_squeeze %dma_start3A_140 : memref<1x128x64xi32, #tpu.memory_space<vmem>> -> memref<128x64xi32, #tpu.memory_space<vmem>>
    %dma_start3A_142 = arith.constant 0 : i32
    %dma_start3A_143 = tpu.memref_slice %arg8[%dma_start3A_135, %dma_start3A_142] : memref<80x128xi32, #tpu.memory_space<vmem>> -> memref<1x128xi32, #tpu.memory_space<vmem>>
    %dma_start3A_144 = tpu.memref_squeeze %dma_start3A_143 : memref<1x128xi32, #tpu.memory_space<vmem>> -> memref<128xi32, #tpu.memory_space<vmem>>
    %dma_start3A_145 = arith.constant 0 : i32
    %dma_start3A_146 = arith.constant 0 : i32
    %dma_start3A_147 = tpu.memref_slice %arg2[%dma_start3A_145, %dma_start3A_146] : memref<10000x64xi32, #tpu.memory_space<hbm>> -> memref<10000x64xi32, #tpu.memory_space<hbm>>
    %dma_start3A_148 = tpu.memref_slice %arg13[%dma_start3A_137] : memref<2x!tpu.dma_semaphore, #tpu.memory_space<semaphore_mem>> -> memref<1x!tpu.dma_semaphore, #tpu.memory_space<semaphore_mem>>
    %dma_start3A_149 = tpu.memref_squeeze %dma_start3A_148 : memref<1x!tpu.dma_semaphore, #tpu.memory_space<semaphore_mem>> -> memref<!tpu.dma_semaphore, #tpu.memory_space<semaphore_mem>>
    tpu.enqueue_indirect_dma source(%dma_start3A_147 : memref<10000x64xi32, #tpu.memory_space<hbm>>) target(%dma_start3A_141 : memref<128x64xi32, #tpu.memory_space<vmem>>) offsets(%dma_start3A_144 : memref<128xi32, #tpu.memory_space<vmem>>) semaphore(%dma_start3A_149 : memref<!tpu.dma_semaphore, #tpu.memory_space<semaphore_mem>>)
    %while3A = arith.constant 0 : i32
    %while3A_150 = arith.constant 1 : i32
    %while3A_151 = arith.subi %select_n3A, %while3A_150 : i32
    %while3A_152 = arith.addi %while3A_150, %while3A_151 : i32
    %while3A_153 = arith.constant 1 : i32
    %while3A_154 = arith.divsi %while3A_151, %while3A_153 : i32
    %while3A_155 = arith.muli %while3A_154, %while3A_153 : i32
    %while3A_156 = arith.addi %while3A_150, %while3A_155 : i32
    %while3A_157 = arith.constant 1 : i32
    scf.for %while3A_249 = %while3A_150 to %while3A_156 step %while3A_157  : i32 {
      %rem3A_250 = arith.constant 2 : i32
      %rem3A_251 = arith.remsi %while3A_249, %rem3A_250 : i32
      %jit3A_252 = arith.constant 4 : i32
      %div3A_253 = arith.divsi %while3A_249, %jit3A_252 : i32
      %sign3A_254 = arith.constant 0 : i32
      %sign3A_255 = arith.cmpi sgt, %while3A_249, %sign3A_254 : i32
      %sign3A_256 = arith.extui %sign3A_255 : i1 to i32
      %sign3A_257 = arith.constant 0 : i32
      %sign3A_258 = arith.cmpi slt, %while3A_249, %sign3A_257 : i32
      %sign3A_259 = arith.extui %sign3A_258 : i1 to i32
      %sign3A_260 = arith.subi %sign3A_256, %sign3A_259 : i32
      %sign3A_261 = arith.constant 0 : i32
      %sign3A_262 = arith.cmpi sgt, %jit3A_252, %sign3A_261 : i32
      %sign3A_263 = arith.extui %sign3A_262 : i1 to i32
      %sign3A_264 = arith.constant 0 : i32
      %sign3A_265 = arith.cmpi slt, %jit3A_252, %sign3A_264 : i32
      %sign3A_266 = arith.extui %sign3A_265 : i1 to i32
      %sign3A_267 = arith.subi %sign3A_263, %sign3A_266 : i32
      %ne3A_268 = arith.cmpi ne, %sign3A_260, %sign3A_267 : i32
      %rem3A_269 = arith.remsi %while3A_249, %jit3A_252 : i32
      %ne3A_270 = arith.constant 0 : i32
      %ne3A_271 = arith.cmpi ne, %rem3A_269, %ne3A_270 : i32
      %and3A_272 = arith.andi %ne3A_268, %ne3A_271 : i1
      %sub3A_273 = arith.constant 1 : i32
      %sub3A_274 = arith.subi %div3A_253, %sub3A_273 : i32
      %select_n3A_275 = arith.select %and3A_272, %sub3A_274, %div3A_253 : i32
      %rem3A_276 = arith.constant 4 : i32
      %rem3A_277 = arith.remsi %while3A_249, %rem3A_276 : i32
      %dma_wait3A_278 = arith.constant 0 : i32
      %dma_wait3A_279 = arith.constant 0 : i32
      %dma_wait3A_280 = tpu.memref_slice %arg10[%rem3A_251, %dma_wait3A_278, %dma_wait3A_279] : memref<2x128x64xi32, #tpu.memory_space<vmem>> -> memref<1x128x64xi32, #tpu.memory_space<vmem>>
      %dma_wait3A_281 = tpu.memref_squeeze %dma_wait3A_280 : memref<1x128x64xi32, #tpu.memory_space<vmem>> -> memref<128x64xi32, #tpu.memory_space<vmem>>
      %dma_wait3A_282 = arith.constant 0 : i32
      %dma_wait3A_283 = tpu.memref_slice %arg8[%while3A_249, %dma_wait3A_282] : memref<80x128xi32, #tpu.memory_space<vmem>> -> memref<1x128xi32, #tpu.memory_space<vmem>>
      %dma_wait3A_284 = tpu.memref_squeeze %dma_wait3A_283 : memref<1x128xi32, #tpu.memory_space<vmem>> -> memref<128xi32, #tpu.memory_space<vmem>>
      %dma_wait3A_285 = arith.constant 0 : i32
      %dma_wait3A_286 = arith.constant 0 : i32
      %dma_wait3A_287 = tpu.memref_slice %arg2[%dma_wait3A_285, %dma_wait3A_286] : memref<10000x64xi32, #tpu.memory_space<hbm>> -> memref<10000x64xi32, #tpu.memory_space<hbm>>
      %dma_wait3A_288 = tpu.memref_slice %arg13[%rem3A_251] : memref<2x!tpu.dma_semaphore, #tpu.memory_space<semaphore_mem>> -> memref<1x!tpu.dma_semaphore, #tpu.memory_space<semaphore_mem>>
      %dma_wait3A_289 = tpu.memref_squeeze %dma_wait3A_288 : memref<1x!tpu.dma_semaphore, #tpu.memory_space<semaphore_mem>> -> memref<!tpu.dma_semaphore, #tpu.memory_space<semaphore_mem>>
      tpu.wait_indirect_dma semaphore(%dma_wait3A_289 : memref<!tpu.dma_semaphore, #tpu.memory_space<semaphore_mem>>) src(%dma_wait3A_287 : memref<10000x64xi32, #tpu.memory_space<hbm>>) dst(%dma_wait3A_281 : memref<128x64xi32, #tpu.memory_space<vmem>>)
      %sub3A_290 = arith.constant 1 : i32
      %sub3A_291 = arith.subi %while3A_249, %sub3A_290 : i32
      %jit3A_292 = arith.constant 4 : i32
      %div3A_293 = arith.divsi %sub3A_291, %jit3A_292 : i32
      %sign3A_294 = arith.constant 0 : i32
      %sign3A_295 = arith.cmpi sgt, %sub3A_291, %sign3A_294 : i32
      %sign3A_296 = arith.extui %sign3A_295 : i1 to i32
      %sign3A_297 = arith.constant 0 : i32
      %sign3A_298 = arith.cmpi slt, %sub3A_291, %sign3A_297 : i32
      %sign3A_299 = arith.extui %sign3A_298 : i1 to i32
      %sign3A_300 = arith.subi %sign3A_296, %sign3A_299 : i32
      %sign3A_301 = arith.constant 0 : i32
      %sign3A_302 = arith.cmpi sgt, %jit3A_292, %sign3A_301 : i32
      %sign3A_303 = arith.extui %sign3A_302 : i1 to i32
      %sign3A_304 = arith.constant 0 : i32
      %sign3A_305 = arith.cmpi slt, %jit3A_292, %sign3A_304 : i32
      %sign3A_306 = arith.extui %sign3A_305 : i1 to i32
      %sign3A_307 = arith.subi %sign3A_303, %sign3A_306 : i32
      %ne3A_308 = arith.cmpi ne, %sign3A_300, %sign3A_307 : i32
      %rem3A_309 = arith.remsi %sub3A_291, %jit3A_292 : i32
      %ne3A_310 = arith.constant 0 : i32
      %ne3A_311 = arith.cmpi ne, %rem3A_309, %ne3A_310 : i32
      %and3A_312 = arith.andi %ne3A_308, %ne3A_311 : i1
      %sub3A_313 = arith.constant 1 : i32
      %sub3A_314 = arith.subi %div3A_293, %sub3A_313 : i32
      %select_n3A_315 = arith.select %and3A_312, %sub3A_314, %div3A_293 : i32
      %jit3A_316 = arith.constant 2 : i32
      %eq3A_317 = arith.constant 0 : i32
      %eq3A_318 = arith.cmpi eq, %jit3A_316, %eq3A_317 : i32
      %jit3A_319 = arith.constant 1 : i32
      %select_n3A_320 = arith.select %eq3A_318, %jit3A_319, %jit3A_316 : i32
      %rem3A_321 = arith.remsi %select_n3A_315, %select_n3A_320 : i32
      %ne3A_322 = arith.constant 0 : i32
      %ne3A_323 = arith.cmpi ne, %rem3A_321, %ne3A_322 : i32
      %lt3A_324 = arith.constant 0 : i32
      %lt3A_325 = arith.cmpi slt, %rem3A_321, %lt3A_324 : i32
      %lt3A_326 = arith.constant 0 : i32
      %lt3A_327 = arith.cmpi slt, %select_n3A_320, %lt3A_326 : i32
      %ne3A_328 = arith.xori %lt3A_325, %lt3A_327 : i1
      %and3A_329 = arith.andi %ne3A_328, %ne3A_323 : i1
      %add3A_330 = arith.addi %rem3A_321, %select_n3A_320 : i32
      %select_n3A_331 = arith.select %and3A_329, %add3A_330, %rem3A_321 : i32
      %jit3A_332 = arith.constant 4 : i32
      %eq3A_333 = arith.constant 0 : i32
      %eq3A_334 = arith.cmpi eq, %jit3A_332, %eq3A_333 : i32
      %jit3A_335 = arith.constant 1 : i32
      %select_n3A_336 = arith.select %eq3A_334, %jit3A_335, %jit3A_332 : i32
      %rem3A_337 = arith.remsi %sub3A_291, %select_n3A_336 : i32
      %ne3A_338 = arith.constant 0 : i32
      %ne3A_339 = arith.cmpi ne, %rem3A_337, %ne3A_338 : i32
      %lt3A_340 = arith.constant 0 : i32
      %lt3A_341 = arith.cmpi slt, %rem3A_337, %lt3A_340 : i32
      %lt3A_342 = arith.constant 0 : i32
      %lt3A_343 = arith.cmpi slt, %select_n3A_336, %lt3A_342 : i32
      %ne3A_344 = arith.xori %lt3A_341, %lt3A_343 : i1
      %and3A_345 = arith.andi %ne3A_344, %ne3A_339 : i1
      %add3A_346 = arith.addi %rem3A_337, %select_n3A_336 : i32
      %select_n3A_347 = arith.select %and3A_345, %add3A_346, %rem3A_337 : i32
      %dma_wait3A_348 = arith.constant 0 : i32
      %dma_wait3A_349 = tpu.memref_slice %arg9[%select_n3A_331, %select_n3A_347, %dma_wait3A_348] : memref<2x4x128xi32, #tpu.memory_space<vmem>> -> memref<1x1x128xi32, #tpu.memory_space<vmem>>
      %dma_wait3A_350 = tpu.memref_squeeze %dma_wait3A_349 : memref<1x1x128xi32, #tpu.memory_space<vmem>> -> memref<128xi32, #tpu.memory_space<vmem>>
      %dma_wait3A_351 = arith.constant 0 : i32
      %dma_wait3A_352 = arith.constant 0 : i32
      %dma_wait3A_353 = tpu.memref_slice %arg7[%dma_wait3A_351, %dma_wait3A_352] : memref<10112x128xf32, #tpu.memory_space<vmem_shared>> -> memref<10112x128xf32, #tpu.memory_space<vmem_shared>>
      tpu.wait_indirect_dma semaphore(%arg14 : memref<!tpu.dma_semaphore, #tpu.memory_space<semaphore_mem>>) src(%arg11 : memref<128x128xf32, #tpu.memory_space<vmem>>) dst(%dma_wait3A_353 : memref<10112x128xf32, #tpu.memory_space<vmem_shared>>)
      %eq3A_354 = arith.constant 0 : i32
      %eq3A_355 = arith.cmpi eq, %rem3A_277, %eq3A_354 : i32
      %convert_element_type3A_356 = arith.extui %eq3A_355 : i1 to i32
      %cond3A_357 = arith.constant 0 : i32
      %cond3A_358 = arith.cmpi ne, %convert_element_type3A_356, %cond3A_357 : i32
      scf.if %cond3A_358 {
        %rem3A_441 = arith.constant 2 : i32
        %rem3A_442 = arith.remsi %select_n3A_275, %rem3A_441 : i32
        %mul3A_443 = arith.constant 4 : i32
        %mul3A_444 = arith.muli %select_n3A_275, %mul3A_443 : i32
        %add3A_445 = arith.addi %mul3A_2, %mul3A_444 : i32
        %dma_wait3A_446 = arith.constant 0 : i32
        %dma_wait3A_447 = arith.constant 0 : i32
        %dma_wait3A_448 = arith.constant 0 : i32
        %dma_wait3A_449 = tpu.memref_slice %arg9[%rem3A_442, %dma_wait3A_447, %dma_wait3A_448] : memref<2x4x128xi32, #tpu.memory_space<vmem>> -> memref<1x4x128xi32, #tpu.memory_space<vmem>>
        %dma_wait3A_450 = tpu.memref_squeeze %dma_wait3A_449 : memref<1x4x128xi32, #tpu.memory_space<vmem>> -> memref<4x128xi32, #tpu.memory_space<vmem>>
        %dma_wait3A_451 = arith.constant 0 : i32
        %dma_wait3A_452 = tpu.memref_slice %arg3[%dma_wait3A_446, %add3A_445, %dma_wait3A_451] : memref<2x2500x128xi32, #tpu.memory_space<hbm>> -> memref<1x4x128xi32, #tpu.memory_space<hbm>>
        %dma_wait3A_453 = tpu.memref_squeeze %dma_wait3A_452 : memref<1x4x128xi32, #tpu.memory_space<hbm>> -> memref<4x128xi32, #tpu.memory_space<hbm>>
        %dma_wait3A_454 = tpu.memref_slice %arg12[%rem3A_442] : memref<2x!tpu.dma_semaphore, #tpu.memory_space<semaphore_mem>> -> memref<1x!tpu.dma_semaphore, #tpu.memory_space<semaphore_mem>>
        %dma_wait3A_455 = tpu.memref_squeeze %dma_wait3A_454 : memref<1x!tpu.dma_semaphore, #tpu.memory_space<semaphore_mem>> -> memref<!tpu.dma_semaphore, #tpu.memory_space<semaphore_mem>>
        %dma_wait3A_456 = arith.constant 0 : i32
        %dma_wait3A_457 = arith.constant 0 : i32
        %dma_wait3A_458 = tpu.memref_slice %arg9[%rem3A_442, %dma_wait3A_456, %dma_wait3A_457] : memref<2x4x128xi32, #tpu.memory_space<vmem>> -> memref<1x4x128xi32, #tpu.memory_space<vmem>>
        %dma_wait3A_459 = tpu.memref_squeeze %dma_wait3A_458 : memref<1x4x128xi32, #tpu.memory_space<vmem>> -> memref<4x128xi32, #tpu.memory_space<vmem>>
        %dma_wait3A_460 = arith.constant 0 : i32
        %dma_wait3A_461 = tpu.memref_slice %arg3[%dma_wait3A_446, %add3A_445, %dma_wait3A_460] : memref<2x2500x128xi32, #tpu.memory_space<hbm>> -> memref<1x4x128xi32, #tpu.memory_space<hbm>>
        %dma_wait3A_462 = tpu.memref_squeeze %dma_wait3A_461 : memref<1x4x128xi32, #tpu.memory_space<hbm>> -> memref<4x128xi32, #tpu.memory_space<hbm>>
        tpu.wait_dma2 semaphore(%dma_wait3A_455 : memref<!tpu.dma_semaphore, #tpu.memory_space<semaphore_mem>>) src(%dma_wait3A_462 : memref<4x128xi32, #tpu.memory_space<hbm>>) dst(%dma_wait3A_459 : memref<4x128xi32, #tpu.memory_space<vmem>>)
      } else {
      }
      %eq3A_359 = arith.constant 0 : i32
      %eq3A_360 = arith.cmpi eq, %rem3A_277, %eq3A_359 : i32
      %sub3A_361 = arith.constant 2 : i32
      %sub3A_362 = arith.subi %select_n3A_7, %sub3A_361 : i32
      %le3A = arith.cmpi sle, %select_n3A_275, %sub3A_362 : i32
      %and3A_363 = arith.andi %eq3A_360, %le3A : i1
      %convert_element_type3A_364 = arith.extui %and3A_363 : i1 to i32
      %cond3A_365 = arith.constant 0 : i32
      %cond3A_366 = arith.cmpi ne, %convert_element_type3A_364, %cond3A_365 : i32
      scf.if %cond3A_366 {
        %add3A_441 = arith.constant 1 : i32
        %add3A_442 = arith.addi %select_n3A_275, %add3A_441 : i32
        %add3A_443 = arith.constant 1 : i32
        %add3A_444 = arith.addi %select_n3A_275, %add3A_443 : i32
        %rem3A_445 = arith.constant 2 : i32
        %rem3A_446 = arith.remsi %add3A_444, %rem3A_445 : i32
        %mul3A_447 = arith.constant 4 : i32
        %mul3A_448 = arith.muli %add3A_442, %mul3A_447 : i32
        %add3A_449 = arith.addi %mul3A_2, %mul3A_448 : i32
        %dma_start3A_450 = arith.constant 0 : i32
        %dma_start3A_451 = arith.constant 0 : i32
        %dma_start3A_452 = arith.constant 0 : i32
        %dma_start3A_453 = tpu.memref_slice %arg9[%rem3A_446, %dma_start3A_451, %dma_start3A_452] : memref<2x4x128xi32, #tpu.memory_space<vmem>> -> memref<1x4x128xi32, #tpu.memory_space<vmem>>
        %dma_start3A_454 = tpu.memref_squeeze %dma_start3A_453 : memref<1x4x128xi32, #tpu.memory_space<vmem>> -> memref<4x128xi32, #tpu.memory_space<vmem>>
        %dma_start3A_455 = arith.constant 0 : i32
        %dma_start3A_456 = tpu.memref_slice %arg3[%dma_start3A_450, %add3A_449, %dma_start3A_455] : memref<2x2500x128xi32, #tpu.memory_space<hbm>> -> memref<1x4x128xi32, #tpu.memory_space<hbm>>
        %dma_start3A_457 = tpu.memref_squeeze %dma_start3A_456 : memref<1x4x128xi32, #tpu.memory_space<hbm>> -> memref<4x128xi32, #tpu.memory_space<hbm>>
        %dma_start3A_458 = tpu.memref_slice %arg12[%rem3A_446] : memref<2x!tpu.dma_semaphore, #tpu.memory_space<semaphore_mem>> -> memref<1x!tpu.dma_semaphore, #tpu.memory_space<semaphore_mem>>
        %dma_start3A_459 = tpu.memref_squeeze %dma_start3A_458 : memref<1x!tpu.dma_semaphore, #tpu.memory_space<semaphore_mem>> -> memref<!tpu.dma_semaphore, #tpu.memory_space<semaphore_mem>>
        %dma_start3A_460 = arith.constant 0 : i32
        %dma_start3A_461 = arith.constant 0 : i32
        %dma_start3A_462 = tpu.memref_slice %arg9[%rem3A_446, %dma_start3A_460, %dma_start3A_461] : memref<2x4x128xi32, #tpu.memory_space<vmem>> -> memref<1x4x128xi32, #tpu.memory_space<vmem>>
        %dma_start3A_463 = tpu.memref_squeeze %dma_start3A_462 : memref<1x4x128xi32, #tpu.memory_space<vmem>> -> memref<4x128xi32, #tpu.memory_space<vmem>>
        %dma_start3A_464 = arith.constant 0 : i32
        %dma_start3A_465 = tpu.memref_slice %arg3[%dma_start3A_450, %add3A_449, %dma_start3A_464] : memref<2x2500x128xi32, #tpu.memory_space<hbm>> -> memref<1x4x128xi32, #tpu.memory_space<hbm>>
        %dma_start3A_466 = tpu.memref_squeeze %dma_start3A_465 : memref<1x4x128xi32, #tpu.memory_space<hbm>> -> memref<4x128xi32, #tpu.memory_space<hbm>>
        tpu.enqueue_dma source(%dma_start3A_466 : memref<4x128xi32, #tpu.memory_space<hbm>>) target(%dma_start3A_463 : memref<4x128xi32, #tpu.memory_space<vmem>>) target_semaphore(%dma_start3A_459 : memref<!tpu.dma_semaphore, #tpu.memory_space<semaphore_mem>>)
      } else {
      }
      %scan3A_367 = arith.constant 0 : i32
      %scan3A_368 = arith.constant 0 : i32
      %scan3A_369 = arith.constant 128 : i32
      %scan3A_370 = arith.addi %scan3A_368, %scan3A_369 : i32
      %scan3A_371 = arith.constant 1 : i32
      scf.for %scan3A_441 = %scan3A_368 to %scan3A_370 step %scan3A_371  : i32 {
        %get3A = arith.index_cast %rem3A_251 : i32 to index
        %get3A_442 = arith.index_cast %scan3A_441 : i32 to index
        %get3A_443 = arith.constant 0 : index
        %get3A_444 = tpu.vector_load %arg10[%get3A, %get3A_442, %get3A_443] {strides = array<i32>} : memref<2x128x64xi32, #tpu.memory_space<vmem>>, vector<1x1x16xi32>,
        %get3A_445 = vector.shape_cast %get3A_444 : vector<1x1x16xi32> to vector<16xi32>
        %shift_left3A = arith.constant 16 : i32
        %shift_left3A_446 = vector.broadcast %shift_left3A : i32 to vector<16xi32>
        %shift_left3A_447 = arith.shli %get3A_445, %shift_left3A_446 : vector<16xi32>
        %bitcast_convert_type3A = tpu.bitcast %shift_left3A_447 : vector<16xi32> -> vector<16xf32>
        %and3A_448 = arith.andi %get3A_445, %broadcast_in_dim3A_8 : vector<16xi32>
        %bitcast_convert_type3A_449 = tpu.bitcast %and3A_448 : vector<16xi32> -> vector<16xf32>
        %swap3A = arith.index_cast %scan3A_441 : i32 to index
        %swap3A_450 = arith.constant 0 : index
        %swap3A_451 = tpu.vector_load %arg11[%swap3A, %swap3A_450] {strides = array<i32>} : memref<128x128xf32, #tpu.memory_space<vmem>>, vector<1x16xf32>,
        %swap3A_452 = vector.shape_cast %swap3A_451 : vector<1x16xf32> to vector<16xf32>
        %swap3A_453 = vector.shape_cast %bitcast_convert_type3A : vector<16xf32> to vector<1x16xf32>
        tpu.vector_store %arg11[%swap3A, %swap3A_450], %swap3A_453 {strides = array<i32>} : memref<128x128xf32, #tpu.memory_space<vmem>>, vector<1x16xf32>,
        %swap3A_454 = arith.index_cast %scan3A_441 : i32 to index
        %swap3A_455 = arith.constant 16 : index
        %swap3A_456 = tpu.vector_load %arg11[%swap3A_454, %swap3A_455] {strides = array<i32>} : memref<128x128xf32, #tpu.memory_space<vmem>>, vector<1x16xf32>,
        %swap3A_457 = vector.shape_cast %swap3A_456 : vector<1x16xf32> to vector<16xf32>
        %swap3A_458 = vector.shape_cast %bitcast_convert_type3A_449 : vector<16xf32> to vector<1x16xf32>
        tpu.vector_store %arg11[%swap3A_454, %swap3A_455], %swap3A_458 {strides = array<i32>} : memref<128x128xf32, #tpu.memory_space<vmem>>, vector<1x16xf32>,
        %get3A_459 = arith.index_cast %rem3A_251 : i32 to index
        %get3A_460 = arith.index_cast %scan3A_441 : i32 to index
        %get3A_461 = arith.constant 16 : index
        %get3A_462 = tpu.vector_load %arg10[%get3A_459, %get3A_460, %get3A_461] {strides = array<i32>} : memref<2x128x64xi32, #tpu.memory_space<vmem>>, vector<1x1x16xi32>,
        %get3A_463 = vector.shape_cast %get3A_462 : vector<1x1x16xi32> to vector<16xi32>
        %shift_left3A_464 = arith.constant 16 : i32
        %shift_left3A_465 = vector.broadcast %shift_left3A_464 : i32 to vector<16xi32>
        %shift_left3A_466 = arith.shli %get3A_463, %shift_left3A_465 : vector<16xi32>
        %bitcast_convert_type3A_467 = tpu.bitcast %shift_left3A_466 : vector<16xi32> -> vector<16xf32>
        %and3A_468 = arith.andi %get3A_463, %broadcast_in_dim3A_8 : vector<16xi32>
        %bitcast_convert_type3A_469 = tpu.bitcast %and3A_468 : vector<16xi32> -> vector<16xf32>
        %swap3A_470 = arith.index_cast %scan3A_441 : i32 to index
        %swap3A_471 = arith.constant 32 : index
        %swap3A_472 = tpu.vector_load %arg11[%swap3A_470, %swap3A_471] {strides = array<i32>} : memref<128x128xf32, #tpu.memory_space<vmem>>, vector<1x16xf32>,
        %swap3A_473 = vector.shape_cast %swap3A_472 : vector<1x16xf32> to vector<16xf32>
        %swap3A_474 = vector.shape_cast %bitcast_convert_type3A_467 : vector<16xf32> to vector<1x16xf32>
        tpu.vector_store %arg11[%swap3A_470, %swap3A_471], %swap3A_474 {strides = array<i32>} : memref<128x128xf32, #tpu.memory_space<vmem>>, vector<1x16xf32>,
        %swap3A_475 = arith.index_cast %scan3A_441 : i32 to index
        %swap3A_476 = arith.constant 48 : index
        %swap3A_477 = tpu.vector_load %arg11[%swap3A_475, %swap3A_476] {strides = array<i32>} : memref<128x128xf32, #tpu.memory_space<vmem>>, vector<1x16xf32>,
        %swap3A_478 = vector.shape_cast %swap3A_477 : vector<1x16xf32> to vector<16xf32>
        %swap3A_479 = vector.shape_cast %bitcast_convert_type3A_469 : vector<16xf32> to vector<1x16xf32>
        tpu.vector_store %arg11[%swap3A_475, %swap3A_476], %swap3A_479 {strides = array<i32>} : memref<128x128xf32, #tpu.memory_space<vmem>>, vector<1x16xf32>,
        %get3A_480 = arith.index_cast %rem3A_251 : i32 to index
        %get3A_481 = arith.index_cast %scan3A_441 : i32 to index
        %get3A_482 = arith.constant 32 : index
        %get3A_483 = tpu.vector_load %arg10[%get3A_480, %get3A_481, %get3A_482] {strides = array<i32>} : memref<2x128x64xi32, #tpu.memory_space<vmem>>, vector<1x1x16xi32>,
        %get3A_484 = vector.shape_cast %get3A_483 : vector<1x1x16xi32> to vector<16xi32>
        %shift_left3A_485 = arith.constant 16 : i32
        %shift_left3A_486 = vector.broadcast %shift_left3A_485 : i32 to vector<16xi32>
        %shift_left3A_487 = arith.shli %get3A_484, %shift_left3A_486 : vector<16xi32>
        %bitcast_convert_type3A_488 = tpu.bitcast %shift_left3A_487 : vector<16xi32> -> vector<16xf32>
        %and3A_489 = arith.andi %get3A_484, %broadcast_in_dim3A_8 : vector<16xi32>
        %bitcast_convert_type3A_490 = tpu.bitcast %and3A_489 : vector<16xi32> -> vector<16xf32>
        %swap3A_491 = arith.index_cast %scan3A_441 : i32 to index
        %swap3A_492 = arith.constant 64 : index
        %swap3A_493 = tpu.vector_load %arg11[%swap3A_491, %swap3A_492] {strides = array<i32>} : memref<128x128xf32, #tpu.memory_space<vmem>>, vector<1x16xf32>,
        %swap3A_494 = vector.shape_cast %swap3A_493 : vector<1x16xf32> to vector<16xf32>
        %swap3A_495 = vector.shape_cast %bitcast_convert_type3A_488 : vector<16xf32> to vector<1x16xf32>
        tpu.vector_store %arg11[%swap3A_491, %swap3A_492], %swap3A_495 {strides = array<i32>} : memref<128x128xf32, #tpu.memory_space<vmem>>, vector<1x16xf32>,
        %swap3A_496 = arith.index_cast %scan3A_441 : i32 to index
        %swap3A_497 = arith.constant 80 : index
        %swap3A_498 = tpu.vector_load %arg11[%swap3A_496, %swap3A_497] {strides = array<i32>} : memref<128x128xf32, #tpu.memory_space<vmem>>, vector<1x16xf32>,
        %swap3A_499 = vector.shape_cast %swap3A_498 : vector<1x16xf32> to vector<16xf32>
        %swap3A_500 = vector.shape_cast %bitcast_convert_type3A_490 : vector<16xf32> to vector<1x16xf32>
        tpu.vector_store %arg11[%swap3A_496, %swap3A_497], %swap3A_500 {strides = array<i32>} : memref<128x128xf32, #tpu.memory_space<vmem>>, vector<1x16xf32>,
        %get3A_501 = arith.index_cast %rem3A_251 : i32 to index
        %get3A_502 = arith.index_cast %scan3A_441 : i32 to index
        %get3A_503 = arith.constant 48 : index
        %get3A_504 = tpu.vector_load %arg10[%get3A_501, %get3A_502, %get3A_503] {strides = array<i32>} : memref<2x128x64xi32, #tpu.memory_space<vmem>>, vector<1x1x16xi32>,
        %get3A_505 = vector.shape_cast %get3A_504 : vector<1x1x16xi32> to vector<16xi32>
        %shift_left3A_506 = arith.constant 16 : i32
        %shift_left3A_507 = vector.broadcast %shift_left3A_506 : i32 to vector<16xi32>
        %shift_left3A_508 = arith.shli %get3A_505, %shift_left3A_507 : vector<16xi32>
        %bitcast_convert_type3A_509 = tpu.bitcast %shift_left3A_508 : vector<16xi32> -> vector<16xf32>
        %and3A_510 = arith.andi %get3A_505, %broadcast_in_dim3A_8 : vector<16xi32>
        %bitcast_convert_type3A_511 = tpu.bitcast %and3A_510 : vector<16xi32> -> vector<16xf32>
        %swap3A_512 = arith.index_cast %scan3A_441 : i32 to index
        %swap3A_513 = arith.constant 96 : index
        %swap3A_514 = tpu.vector_load %arg11[%swap3A_512, %swap3A_513] {strides = array<i32>} : memref<128x128xf32, #tpu.memory_space<vmem>>, vector<1x16xf32>,
        %swap3A_515 = vector.shape_cast %swap3A_514 : vector<1x16xf32> to vector<16xf32>
        %swap3A_516 = vector.shape_cast %bitcast_convert_type3A_509 : vector<16xf32> to vector<1x16xf32>
        tpu.vector_store %arg11[%swap3A_512, %swap3A_513], %swap3A_516 {strides = array<i32>} : memref<128x128xf32, #tpu.memory_space<vmem>>, vector<1x16xf32>,
        %swap3A_517 = arith.index_cast %scan3A_441 : i32 to index
        %swap3A_518 = arith.constant 112 : index
        %swap3A_519 = tpu.vector_load %arg11[%swap3A_517, %swap3A_518] {strides = array<i32>} : memref<128x128xf32, #tpu.memory_space<vmem>>, vector<1x16xf32>,
        %swap3A_520 = vector.shape_cast %swap3A_519 : vector<1x16xf32> to vector<16xf32>
        %swap3A_521 = vector.shape_cast %bitcast_convert_type3A_511 : vector<16xf32> to vector<1x16xf32>
        tpu.vector_store %arg11[%swap3A_517, %swap3A_518], %swap3A_521 {strides = array<i32>} : memref<128x128xf32, #tpu.memory_space<vmem>>, vector<1x16xf32>,
      }
      %scan3A_372 = arith.constant 128 : i32
      %jit3A_373 = arith.constant 4 : i32
      %div3A_374 = arith.divsi %while3A_249, %jit3A_373 : i32
      %sign3A_375 = arith.constant 0 : i32
      %sign3A_376 = arith.cmpi sgt, %while3A_249, %sign3A_375 : i32
      %sign3A_377 = arith.extui %sign3A_376 : i1 to i32
      %sign3A_378 = arith.constant 0 : i32
      %sign3A_379 = arith.cmpi slt, %while3A_249, %sign3A_378 : i32
      %sign3A_380 = arith.extui %sign3A_379 : i1 to i32
      %sign3A_381 = arith.subi %sign3A_377, %sign3A_380 : i32
      %sign3A_382 = arith.constant 0 : i32
      %sign3A_383 = arith.cmpi sgt, %jit3A_373, %sign3A_382 : i32
      %sign3A_384 = arith.extui %sign3A_383 : i1 to i32
      %sign3A_385 = arith.constant 0 : i32
      %sign3A_386 = arith.cmpi slt, %jit3A_373, %sign3A_385 : i32
      %sign3A_387 = arith.extui %sign3A_386 : i1 to i32
      %sign3A_388 = arith.subi %sign3A_384, %sign3A_387 : i32
      %ne3A_389 = arith.cmpi ne, %sign3A_381, %sign3A_388 : i32
      %rem3A_390 = arith.remsi %while3A_249, %jit3A_373 : i32
      %ne3A_391 = arith.constant 0 : i32
      %ne3A_392 = arith.cmpi ne, %rem3A_390, %ne3A_391 : i32
      %and3A_393 = arith.andi %ne3A_389, %ne3A_392 : i1
      %sub3A_394 = arith.constant 1 : i32
      %sub3A_395 = arith.subi %div3A_374, %sub3A_394 : i32
      %select_n3A_396 = arith.select %and3A_393, %sub3A_395, %div3A_374 : i32
      %jit3A_397 = arith.constant 2 : i32
      %eq3A_398 = arith.constant 0 : i32
      %eq3A_399 = arith.cmpi eq, %jit3A_397, %eq3A_398 : i32
      %jit3A_400 = arith.constant 1 : i32
      %select_n3A_401 = arith.select %eq3A_399, %jit3A_400, %jit3A_397 : i32
      %rem3A_402 = arith.remsi %select_n3A_396, %select_n3A_401 : i32
      %ne3A_403 = arith.constant 0 : i32
      %ne3A_404 = arith.cmpi ne, %rem3A_402, %ne3A_403 : i32
      %lt3A_405 = arith.constant 0 : i32
      %lt3A_406 = arith.cmpi slt, %rem3A_402, %lt3A_405 : i32
      %lt3A_407 = arith.constant 0 : i32
      %lt3A_408 = arith.cmpi slt, %select_n3A_401, %lt3A_407 : i32
      %ne3A_409 = arith.xori %lt3A_406, %lt3A_408 : i1
      %and3A_410 = arith.andi %ne3A_409, %ne3A_404 : i1
      %add3A_411 = arith.addi %rem3A_402, %select_n3A_401 : i32
      %select_n3A_412 = arith.select %and3A_410, %add3A_411, %rem3A_402 : i32
      %jit3A_413 = arith.constant 4 : i32
      %eq3A_414 = arith.constant 0 : i32
      %eq3A_415 = arith.cmpi eq, %jit3A_413, %eq3A_414 : i32
      %jit3A_416 = arith.constant 1 : i32
      %select_n3A_417 = arith.select %eq3A_415, %jit3A_416, %jit3A_413 : i32
      %rem3A_418 = arith.remsi %while3A_249, %select_n3A_417 : i32
      %ne3A_419 = arith.constant 0 : i32
      %ne3A_420 = arith.cmpi ne, %rem3A_418, %ne3A_419 : i32
      %lt3A_421 = arith.constant 0 : i32
      %lt3A_422 = arith.cmpi slt, %rem3A_418, %lt3A_421 : i32
      %lt3A_423 = arith.constant 0 : i32
      %lt3A_424 = arith.cmpi slt, %select_n3A_417, %lt3A_423 : i32
      %ne3A_425 = arith.xori %lt3A_422, %lt3A_424 : i1
      %and3A_426 = arith.andi %ne3A_425, %ne3A_420 : i1
      %add3A_427 = arith.addi %rem3A_418, %select_n3A_417 : i32
      %select_n3A_428 = arith.select %and3A_426, %add3A_427, %rem3A_418 : i32
      %dma_start3A_429 = arith.constant 0 : i32
      %dma_start3A_430 = tpu.memref_slice %arg9[%select_n3A_412, %select_n3A_428, %dma_start3A_429] : memref<2x4x128xi32, #tpu.memory_space<vmem>> -> memref<1x1x128xi32, #tpu.memory_space<vmem>>
      %dma_start3A_431 = tpu.memref_squeeze %dma_start3A_430 : memref<1x1x128xi32, #tpu.memory_space<vmem>> -> memref<128xi32, #tpu.memory_space<vmem>>
      %dma_start3A_432 = arith.constant 0 : i32
      %dma_start3A_433 = arith.constant 0 : i32
      %dma_start3A_434 = tpu.memref_slice %arg7[%dma_start3A_432, %dma_start3A_433] : memref<10112x128xf32, #tpu.memory_space<vmem_shared>> -> memref<10112x128xf32, #tpu.memory_space<vmem_shared>>
      tpu.enqueue_indirect_dma source(%arg11 : memref<128x128xf32, #tpu.memory_space<vmem>>) target(%dma_start3A_434 : memref<10112x128xf32, #tpu.memory_space<vmem_shared>>) offsets(%dma_start3A_431 : memref<128xi32, #tpu.memory_space<vmem>>) semaphore(%arg14 : memref<!tpu.dma_semaphore, #tpu.memory_space<semaphore_mem>>) {add = true}
      %add3A_435 = arith.constant 2 : i32
      %add3A_436 = arith.addi %while3A_249, %add3A_435 : i32
      %lt3A_437 = arith.cmpi slt, %add3A_436, %select_n3A : i32
      %convert_element_type3A_438 = arith.extui %lt3A_437 : i1 to i32
      %cond3A_439 = arith.constant 0 : i32
      %cond3A_440 = arith.cmpi ne, %convert_element_type3A_438, %cond3A_439 : i32
      scf.if %cond3A_440 {
        %add3A_441 = arith.constant 2 : i32
        %add3A_442 = arith.addi %while3A_249, %add3A_441 : i32
        %dma_start3A_443 = arith.constant 0 : i32
        %dma_start3A_444 = arith.constant 0 : i32
        %dma_start3A_445 = tpu.memref_slice %arg10[%rem3A_251, %dma_start3A_443, %dma_start3A_444] : memref<2x128x64xi32, #tpu.memory_space<vmem>> -> memref<1x128x64xi32, #tpu.memory_space<vmem>>
        %dma_start3A_446 = tpu.memref_squeeze %dma_start3A_445 : memref<1x128x64xi32, #tpu.memory_space<vmem>> -> memref<128x64xi32, #tpu.memory_space<vmem>>
        %dma_start3A_447 = arith.constant 0 : i32
        %dma_start3A_448 = tpu.memref_slice %arg8[%add3A_442, %dma_start3A_447] : memref<80x128xi32, #tpu.memory_space<vmem>> -> memref<1x128xi32, #tpu.memory_space<vmem>>
        %dma_start3A_449 = tpu.memref_squeeze %dma_start3A_448 : memref<1x128xi32, #tpu.memory_space<vmem>> -> memref<128xi32, #tpu.memory_space<vmem>>
        %dma_start3A_450 = arith.constant 0 : i32
        %dma_start3A_451 = arith.constant 0 : i32
        %dma_start3A_452 = tpu.memref_slice %arg2[%dma_start3A_450, %dma_start3A_451] : memref<10000x64xi32, #tpu.memory_space<hbm>> -> memref<10000x64xi32, #tpu.memory_space<hbm>>
        %dma_start3A_453 = tpu.memref_slice %arg13[%rem3A_251] : memref<2x!tpu.dma_semaphore, #tpu.memory_space<semaphore_mem>> -> memref<1x!tpu.dma_semaphore, #tpu.memory_space<semaphore_mem>>
        %dma_start3A_454 = tpu.memref_squeeze %dma_start3A_453 : memref<1x!tpu.dma_semaphore, #tpu.memory_space<semaphore_mem>> -> memref<!tpu.dma_semaphore, #tpu.memory_space<semaphore_mem>>
        tpu.enqueue_indirect_dma source(%dma_start3A_452 : memref<10000x64xi32, #tpu.memory_space<hbm>>) target(%dma_start3A_446 : memref<128x64xi32, #tpu.memory_space<vmem>>) offsets(%dma_start3A_449 : memref<128xi32, #tpu.memory_space<vmem>>) semaphore(%dma_start3A_454 : memref<!tpu.dma_semaphore, #tpu.memory_space<semaphore_mem>>)
      } else {
      }
    }
    %while3A_158 = arith.constant 1 : i32
    scf.for %while3A_249 = %while3A_156 to %while3A_152 step %while3A_158  : i32 {
      %rem3A_250 = arith.constant 2 : i32
      %rem3A_251 = arith.remsi %while3A_249, %rem3A_250 : i32
      %jit3A_252 = arith.constant 4 : i32
      %div3A_253 = arith.divsi %while3A_249, %jit3A_252 : i32
      %sign3A_254 = arith.constant 0 : i32
      %sign3A_255 = arith.cmpi sgt, %while3A_249, %sign3A_254 : i32
      %sign3A_256 = arith.extui %sign3A_255 : i1 to i32
      %sign3A_257 = arith.constant 0 : i32
      %sign3A_258 = arith.cmpi slt, %while3A_249, %sign3A_257 : i32
      %sign3A_259 = arith.extui %sign3A_258 : i1 to i32
      %sign3A_260 = arith.subi %sign3A_256, %sign3A_259 : i32
      %sign3A_261 = arith.constant 0 : i32
      %sign3A_262 = arith.cmpi sgt, %jit3A_252, %sign3A_261 : i32
      %sign3A_263 = arith.extui %sign3A_262 : i1 to i32
      %sign3A_264 = arith.constant 0 : i32
      %sign3A_265 = arith.cmpi slt, %jit3A_252, %sign3A_264 : i32
      %sign3A_266 = arith.extui %sign3A_265 : i1 to i32
      %sign3A_267 = arith.subi %sign3A_263, %sign3A_266 : i32
      %ne3A_268 = arith.cmpi ne, %sign3A_260, %sign3A_267 : i32
      %rem3A_269 = arith.remsi %while3A_249, %jit3A_252 : i32
      %ne3A_270 = arith.constant 0 : i32
      %ne3A_271 = arith.cmpi ne, %rem3A_269, %ne3A_270 : i32
      %and3A_272 = arith.andi %ne3A_268, %ne3A_271 : i1
      %sub3A_273 = arith.constant 1 : i32
      %sub3A_274 = arith.subi %div3A_253, %sub3A_273 : i32
      %select_n3A_275 = arith.select %and3A_272, %sub3A_274, %div3A_253 : i32
      %rem3A_276 = arith.constant 4 : i32
      %rem3A_277 = arith.remsi %while3A_249, %rem3A_276 : i32
      %dma_wait3A_278 = arith.constant 0 : i32
      %dma_wait3A_279 = arith.constant 0 : i32
      %dma_wait3A_280 = tpu.memref_slice %arg10[%rem3A_251, %dma_wait3A_278, %dma_wait3A_279] : memref<2x128x64xi32, #tpu.memory_space<vmem>> -> memref<1x128x64xi32, #tpu.memory_space<vmem>>
      %dma_wait3A_281 = tpu.memref_squeeze %dma_wait3A_280 : memref<1x128x64xi32, #tpu.memory_space<vmem>> -> memref<128x64xi32, #tpu.memory_space<vmem>>
      %dma_wait3A_282 = arith.constant 0 : i32
      %dma_wait3A_283 = tpu.memref_slice %arg8[%while3A_249, %dma_wait3A_282] : memref<80x128xi32, #tpu.memory_space<vmem>> -> memref<1x128xi32, #tpu.memory_space<vmem>>
      %dma_wait3A_284 = tpu.memref_squeeze %dma_wait3A_283 : memref<1x128xi32, #tpu.memory_space<vmem>> -> memref<128xi32, #tpu.memory_space<vmem>>
      %dma_wait3A_285 = arith.constant 0 : i32
      %dma_wait3A_286 = arith.constant 0 : i32
      %dma_wait3A_287 = tpu.memref_slice %arg2[%dma_wait3A_285, %dma_wait3A_286] : memref<10000x64xi32, #tpu.memory_space<hbm>> -> memref<10000x64xi32, #tpu.memory_space<hbm>>
      %dma_wait3A_288 = tpu.memref_slice %arg13[%rem3A_251] : memref<2x!tpu.dma_semaphore, #tpu.memory_space<semaphore_mem>> -> memref<1x!tpu.dma_semaphore, #tpu.memory_space<semaphore_mem>>
      %dma_wait3A_289 = tpu.memref_squeeze %dma_wait3A_288 : memref<1x!tpu.dma_semaphore, #tpu.memory_space<semaphore_mem>> -> memref<!tpu.dma_semaphore, #tpu.memory_space<semaphore_mem>>
      tpu.wait_indirect_dma semaphore(%dma_wait3A_289 : memref<!tpu.dma_semaphore, #tpu.memory_space<semaphore_mem>>) src(%dma_wait3A_287 : memref<10000x64xi32, #tpu.memory_space<hbm>>) dst(%dma_wait3A_281 : memref<128x64xi32, #tpu.memory_space<vmem>>)
      %sub3A_290 = arith.constant 1 : i32
      %sub3A_291 = arith.subi %while3A_249, %sub3A_290 : i32
      %jit3A_292 = arith.constant 4 : i32
      %div3A_293 = arith.divsi %sub3A_291, %jit3A_292 : i32
      %sign3A_294 = arith.constant 0 : i32
      %sign3A_295 = arith.cmpi sgt, %sub3A_291, %sign3A_294 : i32
      %sign3A_296 = arith.extui %sign3A_295 : i1 to i32
      %sign3A_297 = arith.constant 0 : i32
      %sign3A_298 = arith.cmpi slt, %sub3A_291, %sign3A_297 : i32
      %sign3A_299 = arith.extui %sign3A_298 : i1 to i32
      %sign3A_300 = arith.subi %sign3A_296, %sign3A_299 : i32
      %sign3A_301 = arith.constant 0 : i32
      %sign3A_302 = arith.cmpi sgt, %jit3A_292, %sign3A_301 : i32
      %sign3A_303 = arith.extui %sign3A_302 : i1 to i32
      %sign3A_304 = arith.constant 0 : i32
      %sign3A_305 = arith.cmpi slt, %jit3A_292, %sign3A_304 : i32
      %sign3A_306 = arith.extui %sign3A_305 : i1 to i32
      %sign3A_307 = arith.subi %sign3A_303, %sign3A_306 : i32
      %ne3A_308 = arith.cmpi ne, %sign3A_300, %sign3A_307 : i32
      %rem3A_309 = arith.remsi %sub3A_291, %jit3A_292 : i32
      %ne3A_310 = arith.constant 0 : i32
      %ne3A_311 = arith.cmpi ne, %rem3A_309, %ne3A_310 : i32
      %and3A_312 = arith.andi %ne3A_308, %ne3A_311 : i1
      %sub3A_313 = arith.constant 1 : i32
      %sub3A_314 = arith.subi %div3A_293, %sub3A_313 : i32
      %select_n3A_315 = arith.select %and3A_312, %sub3A_314, %div3A_293 : i32
      %jit3A_316 = arith.constant 2 : i32
      %eq3A_317 = arith.constant 0 : i32
      %eq3A_318 = arith.cmpi eq, %jit3A_316, %eq3A_317 : i32
      %jit3A_319 = arith.constant 1 : i32
      %select_n3A_320 = arith.select %eq3A_318, %jit3A_319, %jit3A_316 : i32
      %rem3A_321 = arith.remsi %select_n3A_315, %select_n3A_320 : i32
      %ne3A_322 = arith.constant 0 : i32
      %ne3A_323 = arith.cmpi ne, %rem3A_321, %ne3A_322 : i32
      %lt3A_324 = arith.constant 0 : i32
      %lt3A_325 = arith.cmpi slt, %rem3A_321, %lt3A_324 : i32
      %lt3A_326 = arith.constant 0 : i32
      %lt3A_327 = arith.cmpi slt, %select_n3A_320, %lt3A_326 : i32
      %ne3A_328 = arith.xori %lt3A_325, %lt3A_327 : i1
      %and3A_329 = arith.andi %ne3A_328, %ne3A_323 : i1
      %add3A_330 = arith.addi %rem3A_321, %select_n3A_320 : i32
      %select_n3A_331 = arith.select %and3A_329, %add3A_330, %rem3A_321 : i32
      %jit3A_332 = arith.constant 4 : i32
      %eq3A_333 = arith.constant 0 : i32
      %eq3A_334 = arith.cmpi eq, %jit3A_332, %eq3A_333 : i32
      %jit3A_335 = arith.constant 1 : i32
      %select_n3A_336 = arith.select %eq3A_334, %jit3A_335, %jit3A_332 : i32
      %rem3A_337 = arith.remsi %sub3A_291, %select_n3A_336 : i32
      %ne3A_338 = arith.constant 0 : i32
      %ne3A_339 = arith.cmpi ne, %rem3A_337, %ne3A_338 : i32
      %lt3A_340 = arith.constant 0 : i32
      %lt3A_341 = arith.cmpi slt, %rem3A_337, %lt3A_340 : i32
      %lt3A_342 = arith.constant 0 : i32
      %lt3A_343 = arith.cmpi slt, %select_n3A_336, %lt3A_342 : i32
      %ne3A_344 = arith.xori %lt3A_341, %lt3A_343 : i1
      %and3A_345 = arith.andi %ne3A_344, %ne3A_339 : i1
      %add3A_346 = arith.addi %rem3A_337, %select_n3A_336 : i32
      %select_n3A_347 = arith.select %and3A_345, %add3A_346, %rem3A_337 : i32
      %dma_wait3A_348 = arith.constant 0 : i32
      %dma_wait3A_349 = tpu.memref_slice %arg9[%select_n3A_331, %select_n3A_347, %dma_wait3A_348] : memref<2x4x128xi32, #tpu.memory_space<vmem>> -> memref<1x1x128xi32, #tpu.memory_space<vmem>>
      %dma_wait3A_350 = tpu.memref_squeeze %dma_wait3A_349 : memref<1x1x128xi32, #tpu.memory_space<vmem>> -> memref<128xi32, #tpu.memory_space<vmem>>
      %dma_wait3A_351 = arith.constant 0 : i32
      %dma_wait3A_352 = arith.constant 0 : i32
      %dma_wait3A_353 = tpu.memref_slice %arg7[%dma_wait3A_351, %dma_wait3A_352] : memref<10112x128xf32, #tpu.memory_space<vmem_shared>> -> memref<10112x128xf32, #tpu.memory_space<vmem_shared>>
      tpu.wait_indirect_dma semaphore(%arg14 : memref<!tpu.dma_semaphore, #tpu.memory_space<semaphore_mem>>) src(%arg11 : memref<128x128xf32, #tpu.memory_space<vmem>>) dst(%dma_wait3A_353 : memref<10112x128xf32, #tpu.memory_space<vmem_shared>>)
      %eq3A_354 = arith.constant 0 : i32
      %eq3A_355 = arith.cmpi eq, %rem3A_277, %eq3A_354 : i32
      %convert_element_type3A_356 = arith.extui %eq3A_355 : i1 to i32
      %cond3A_357 = arith.constant 0 : i32
      %cond3A_358 = arith.cmpi ne, %convert_element_type3A_356, %cond3A_357 : i32
      scf.if %cond3A_358 {
        %rem3A_441 = arith.constant 2 : i32
        %rem3A_442 = arith.remsi %select_n3A_275, %rem3A_441 : i32
        %mul3A_443 = arith.constant 4 : i32
        %mul3A_444 = arith.muli %select_n3A_275, %mul3A_443 : i32
        %add3A_445 = arith.addi %mul3A_2, %mul3A_444 : i32
        %dma_wait3A_446 = arith.constant 0 : i32
        %dma_wait3A_447 = arith.constant 0 : i32
        %dma_wait3A_448 = arith.constant 0 : i32
        %dma_wait3A_449 = tpu.memref_slice %arg9[%rem3A_442, %dma_wait3A_447, %dma_wait3A_448] : memref<2x4x128xi32, #tpu.memory_space<vmem>> -> memref<1x4x128xi32, #tpu.memory_space<vmem>>
        %dma_wait3A_450 = tpu.memref_squeeze %dma_wait3A_449 : memref<1x4x128xi32, #tpu.memory_space<vmem>> -> memref<4x128xi32, #tpu.memory_space<vmem>>
        %dma_wait3A_451 = arith.constant 0 : i32
        %dma_wait3A_452 = tpu.memref_slice %arg3[%dma_wait3A_446, %add3A_445, %dma_wait3A_451] : memref<2x2500x128xi32, #tpu.memory_space<hbm>> -> memref<1x4x128xi32, #tpu.memory_space<hbm>>
        %dma_wait3A_453 = tpu.memref_squeeze %dma_wait3A_452 : memref<1x4x128xi32, #tpu.memory_space<hbm>> -> memref<4x128xi32, #tpu.memory_space<hbm>>
        %dma_wait3A_454 = tpu.memref_slice %arg12[%rem3A_442] : memref<2x!tpu.dma_semaphore, #tpu.memory_space<semaphore_mem>> -> memref<1x!tpu.dma_semaphore, #tpu.memory_space<semaphore_mem>>
        %dma_wait3A_455 = tpu.memref_squeeze %dma_wait3A_454 : memref<1x!tpu.dma_semaphore, #tpu.memory_space<semaphore_mem>> -> memref<!tpu.dma_semaphore, #tpu.memory_space<semaphore_mem>>
        %dma_wait3A_456 = arith.constant 0 : i32
        %dma_wait3A_457 = arith.constant 0 : i32
        %dma_wait3A_458 = tpu.memref_slice %arg9[%rem3A_442, %dma_wait3A_456, %dma_wait3A_457] : memref<2x4x128xi32, #tpu.memory_space<vmem>> -> memref<1x4x128xi32, #tpu.memory_space<vmem>>
        %dma_wait3A_459 = tpu.memref_squeeze %dma_wait3A_458 : memref<1x4x128xi32, #tpu.memory_space<vmem>> -> memref<4x128xi32, #tpu.memory_space<vmem>>
        %dma_wait3A_460 = arith.constant 0 : i32
        %dma_wait3A_461 = tpu.memref_slice %arg3[%dma_wait3A_446, %add3A_445, %dma_wait3A_460] : memref<2x2500x128xi32, #tpu.memory_space<hbm>> -> memref<1x4x128xi32, #tpu.memory_space<hbm>>
        %dma_wait3A_462 = tpu.memref_squeeze %dma_wait3A_461 : memref<1x4x128xi32, #tpu.memory_space<hbm>> -> memref<4x128xi32, #tpu.memory_space<hbm>>
        tpu.wait_dma2 semaphore(%dma_wait3A_455 : memref<!tpu.dma_semaphore, #tpu.memory_space<semaphore_mem>>) src(%dma_wait3A_462 : memref<4x128xi32, #tpu.memory_space<hbm>>) dst(%dma_wait3A_459 : memref<4x128xi32, #tpu.memory_space<vmem>>)
      } else {
      }
      %eq3A_359 = arith.constant 0 : i32
      %eq3A_360 = arith.cmpi eq, %rem3A_277, %eq3A_359 : i32
      %sub3A_361 = arith.constant 2 : i32
      %sub3A_362 = arith.subi %select_n3A_7, %sub3A_361 : i32
      %le3A = arith.cmpi sle, %select_n3A_275, %sub3A_362 : i32
      %and3A_363 = arith.andi %eq3A_360, %le3A : i1
      %convert_element_type3A_364 = arith.extui %and3A_363 : i1 to i32
      %cond3A_365 = arith.constant 0 : i32
      %cond3A_366 = arith.cmpi ne, %convert_element_type3A_364, %cond3A_365 : i32
      scf.if %cond3A_366 {
        %add3A_441 = arith.constant 1 : i32
        %add3A_442 = arith.addi %select_n3A_275, %add3A_441 : i32
        %add3A_443 = arith.constant 1 : i32
        %add3A_444 = arith.addi %select_n3A_275, %add3A_443 : i32
        %rem3A_445 = arith.constant 2 : i32
        %rem3A_446 = arith.remsi %add3A_444, %rem3A_445 : i32
        %mul3A_447 = arith.constant 4 : i32
        %mul3A_448 = arith.muli %add3A_442, %mul3A_447 : i32
        %add3A_449 = arith.addi %mul3A_2, %mul3A_448 : i32
        %dma_start3A_450 = arith.constant 0 : i32
        %dma_start3A_451 = arith.constant 0 : i32
        %dma_start3A_452 = arith.constant 0 : i32
        %dma_start3A_453 = tpu.memref_slice %arg9[%rem3A_446, %dma_start3A_451, %dma_start3A_452] : memref<2x4x128xi32, #tpu.memory_space<vmem>> -> memref<1x4x128xi32, #tpu.memory_space<vmem>>
        %dma_start3A_454 = tpu.memref_squeeze %dma_start3A_453 : memref<1x4x128xi32, #tpu.memory_space<vmem>> -> memref<4x128xi32, #tpu.memory_space<vmem>>
        %dma_start3A_455 = arith.constant 0 : i32
        %dma_start3A_456 = tpu.memref_slice %arg3[%dma_start3A_450, %add3A_449, %dma_start3A_455] : memref<2x2500x128xi32, #tpu.memory_space<hbm>> -> memref<1x4x128xi32, #tpu.memory_space<hbm>>
        %dma_start3A_457 = tpu.memref_squeeze %dma_start3A_456 : memref<1x4x128xi32, #tpu.memory_space<hbm>> -> memref<4x128xi32, #tpu.memory_space<hbm>>
        %dma_start3A_458 = tpu.memref_slice %arg12[%rem3A_446] : memref<2x!tpu.dma_semaphore, #tpu.memory_space<semaphore_mem>> -> memref<1x!tpu.dma_semaphore, #tpu.memory_space<semaphore_mem>>
        %dma_start3A_459 = tpu.memref_squeeze %dma_start3A_458 : memref<1x!tpu.dma_semaphore, #tpu.memory_space<semaphore_mem>> -> memref<!tpu.dma_semaphore, #tpu.memory_space<semaphore_mem>>
        %dma_start3A_460 = arith.constant 0 : i32
        %dma_start3A_461 = arith.constant 0 : i32
        %dma_start3A_462 = tpu.memref_slice %arg9[%rem3A_446, %dma_start3A_460, %dma_start3A_461] : memref<2x4x128xi32, #tpu.memory_space<vmem>> -> memref<1x4x128xi32, #tpu.memory_space<vmem>>
        %dma_start3A_463 = tpu.memref_squeeze %dma_start3A_462 : memref<1x4x128xi32, #tpu.memory_space<vmem>> -> memref<4x128xi32, #tpu.memory_space<vmem>>
        %dma_start3A_464 = arith.constant 0 : i32
        %dma_start3A_465 = tpu.memref_slice %arg3[%dma_start3A_450, %add3A_449, %dma_start3A_464] : memref<2x2500x128xi32, #tpu.memory_space<hbm>> -> memref<1x4x128xi32, #tpu.memory_space<hbm>>
        %dma_start3A_466 = tpu.memref_squeeze %dma_start3A_465 : memref<1x4x128xi32, #tpu.memory_space<hbm>> -> memref<4x128xi32, #tpu.memory_space<hbm>>
        tpu.enqueue_dma source(%dma_start3A_466 : memref<4x128xi32, #tpu.memory_space<hbm>>) target(%dma_start3A_463 : memref<4x128xi32, #tpu.memory_space<vmem>>) target_semaphore(%dma_start3A_459 : memref<!tpu.dma_semaphore, #tpu.memory_space<semaphore_mem>>)
      } else {
      }
      %scan3A_367 = arith.constant 0 : i32
      %scan3A_368 = arith.constant 0 : i32
      %scan3A_369 = arith.constant 128 : i32
      %scan3A_370 = arith.addi %scan3A_368, %scan3A_369 : i32
      %scan3A_371 = arith.constant 1 : i32
      scf.for %scan3A_441 = %scan3A_368 to %scan3A_370 step %scan3A_371  : i32 {
        %get3A = arith.index_cast %rem3A_251 : i32 to index
        %get3A_442 = arith.index_cast %scan3A_441 : i32 to index
        %get3A_443 = arith.constant 0 : index
        %get3A_444 = tpu.vector_load %arg10[%get3A, %get3A_442, %get3A_443] {strides = array<i32>} : memref<2x128x64xi32, #tpu.memory_space<vmem>>, vector<1x1x16xi32>,
        %get3A_445 = vector.shape_cast %get3A_444 : vector<1x1x16xi32> to vector<16xi32>
        %shift_left3A = arith.constant 16 : i32
        %shift_left3A_446 = vector.broadcast %shift_left3A : i32 to vector<16xi32>
        %shift_left3A_447 = arith.shli %get3A_445, %shift_left3A_446 : vector<16xi32>
        %bitcast_convert_type3A = tpu.bitcast %shift_left3A_447 : vector<16xi32> -> vector<16xf32>
        %and3A_448 = arith.andi %get3A_445, %broadcast_in_dim3A_8 : vector<16xi32>
        %bitcast_convert_type3A_449 = tpu.bitcast %and3A_448 : vector<16xi32> -> vector<16xf32>
        %swap3A = arith.index_cast %scan3A_441 : i32 to index
        %swap3A_450 = arith.constant 0 : index
        %swap3A_451 = tpu.vector_load %arg11[%swap3A, %swap3A_450] {strides = array<i32>} : memref<128x128xf32, #tpu.memory_space<vmem>>, vector<1x16xf32>,
        %swap3A_452 = vector.shape_cast %swap3A_451 : vector<1x16xf32> to vector<16xf32>
        %swap3A_453 = vector.shape_cast %bitcast_convert_type3A : vector<16xf32> to vector<1x16xf32>
        tpu.vector_store %arg11[%swap3A, %swap3A_450], %swap3A_453 {strides = array<i32>} : memref<128x128xf32, #tpu.memory_space<vmem>>, vector<1x16xf32>,
        %swap3A_454 = arith.index_cast %scan3A_441 : i32 to index
        %swap3A_455 = arith.constant 16 : index
        %swap3A_456 = tpu.vector_load %arg11[%swap3A_454, %swap3A_455] {strides = array<i32>} : memref<128x128xf32, #tpu.memory_space<vmem>>, vector<1x16xf32>,
        %swap3A_457 = vector.shape_cast %swap3A_456 : vector<1x16xf32> to vector<16xf32>
        %swap3A_458 = vector.shape_cast %bitcast_convert_type3A_449 : vector<16xf32> to vector<1x16xf32>
        tpu.vector_store %arg11[%swap3A_454, %swap3A_455], %swap3A_458 {strides = array<i32>} : memref<128x128xf32, #tpu.memory_space<vmem>>, vector<1x16xf32>,
        %get3A_459 = arith.index_cast %rem3A_251 : i32 to index
        %get3A_460 = arith.index_cast %scan3A_441 : i32 to index
        %get3A_461 = arith.constant 16 : index
        %get3A_462 = tpu.vector_load %arg10[%get3A_459, %get3A_460, %get3A_461] {strides = array<i32>} : memref<2x128x64xi32, #tpu.memory_space<vmem>>, vector<1x1x16xi32>,
        %get3A_463 = vector.shape_cast %get3A_462 : vector<1x1x16xi32> to vector<16xi32>
        %shift_left3A_464 = arith.constant 16 : i32
        %shift_left3A_465 = vector.broadcast %shift_left3A_464 : i32 to vector<16xi32>
        %shift_left3A_466 = arith.shli %get3A_463, %shift_left3A_465 : vector<16xi32>
        %bitcast_convert_type3A_467 = tpu.bitcast %shift_left3A_466 : vector<16xi32> -> vector<16xf32>
        %and3A_468 = arith.andi %get3A_463, %broadcast_in_dim3A_8 : vector<16xi32>
        %bitcast_convert_type3A_469 = tpu.bitcast %and3A_468 : vector<16xi32> -> vector<16xf32>
        %swap3A_470 = arith.index_cast %scan3A_441 : i32 to index
        %swap3A_471 = arith.constant 32 : index
        %swap3A_472 = tpu.vector_load %arg11[%swap3A_470, %swap3A_471] {strides = array<i32>} : memref<128x128xf32, #tpu.memory_space<vmem>>, vector<1x16xf32>,
        %swap3A_473 = vector.shape_cast %swap3A_472 : vector<1x16xf32> to vector<16xf32>
        %swap3A_474 = vector.shape_cast %bitcast_convert_type3A_467 : vector<16xf32> to vector<1x16xf32>
        tpu.vector_store %arg11[%swap3A_470, %swap3A_471], %swap3A_474 {strides = array<i32>} : memref<128x128xf32, #tpu.memory_space<vmem>>, vector<1x16xf32>,
        %swap3A_475 = arith.index_cast %scan3A_441 : i32 to index
        %swap3A_476 = arith.constant 48 : index
        %swap3A_477 = tpu.vector_load %arg11[%swap3A_475, %swap3A_476] {strides = array<i32>} : memref<128x128xf32, #tpu.memory_space<vmem>>, vector<1x16xf32>,
        %swap3A_478 = vector.shape_cast %swap3A_477 : vector<1x16xf32> to vector<16xf32>
        %swap3A_479 = vector.shape_cast %bitcast_convert_type3A_469 : vector<16xf32> to vector<1x16xf32>
        tpu.vector_store %arg11[%swap3A_475, %swap3A_476], %swap3A_479 {strides = array<i32>} : memref<128x128xf32, #tpu.memory_space<vmem>>, vector<1x16xf32>,
        %get3A_480 = arith.index_cast %rem3A_251 : i32 to index
        %get3A_481 = arith.index_cast %scan3A_441 : i32 to index
        %get3A_482 = arith.constant 32 : index
        %get3A_483 = tpu.vector_load %arg10[%get3A_480, %get3A_481, %get3A_482] {strides = array<i32>} : memref<2x128x64xi32, #tpu.memory_space<vmem>>, vector<1x1x16xi32>,
        %get3A_484 = vector.shape_cast %get3A_483 : vector<1x1x16xi32> to vector<16xi32>
        %shift_left3A_485 = arith.constant 16 : i32
        %shift_left3A_486 = vector.broadcast %shift_left3A_485 : i32 to vector<16xi32>
        %shift_left3A_487 = arith.shli %get3A_484, %shift_left3A_486 : vector<16xi32>
        %bitcast_convert_type3A_488 = tpu.bitcast %shift_left3A_487 : vector<16xi32> -> vector<16xf32>
        %and3A_489 = arith.andi %get3A_484, %broadcast_in_dim3A_8 : vector<16xi32>
        %bitcast_convert_type3A_490 = tpu.bitcast %and3A_489 : vector<16xi32> -> vector<16xf32>
        %swap3A_491 = arith.index_cast %scan3A_441 : i32 to index
        %swap3A_492 = arith.constant 64 : index
        %swap3A_493 = tpu.vector_load %arg11[%swap3A_491, %swap3A_492] {strides = array<i32>} : memref<128x128xf32, #tpu.memory_space<vmem>>, vector<1x16xf32>,
        %swap3A_494 = vector.shape_cast %swap3A_493 : vector<1x16xf32> to vector<16xf32>
        %swap3A_495 = vector.shape_cast %bitcast_convert_type3A_488 : vector<16xf32> to vector<1x16xf32>
        tpu.vector_store %arg11[%swap3A_491, %swap3A_492], %swap3A_495 {strides = array<i32>} : memref<128x128xf32, #tpu.memory_space<vmem>>, vector<1x16xf32>,
        %swap3A_496 = arith.index_cast %scan3A_441 : i32 to index
        %swap3A_497 = arith.constant 80 : index
        %swap3A_498 = tpu.vector_load %arg11[%swap3A_496, %swap3A_497] {strides = array<i32>} : memref<128x128xf32, #tpu.memory_space<vmem>>, vector<1x16xf32>,
        %swap3A_499 = vector.shape_cast %swap3A_498 : vector<1x16xf32> to vector<16xf32>
        %swap3A_500 = vector.shape_cast %bitcast_convert_type3A_490 : vector<16xf32> to vector<1x16xf32>
        tpu.vector_store %arg11[%swap3A_496, %swap3A_497], %swap3A_500 {strides = array<i32>} : memref<128x128xf32, #tpu.memory_space<vmem>>, vector<1x16xf32>,
        %get3A_501 = arith.index_cast %rem3A_251 : i32 to index
        %get3A_502 = arith.index_cast %scan3A_441 : i32 to index
        %get3A_503 = arith.constant 48 : index
        %get3A_504 = tpu.vector_load %arg10[%get3A_501, %get3A_502, %get3A_503] {strides = array<i32>} : memref<2x128x64xi32, #tpu.memory_space<vmem>>, vector<1x1x16xi32>,
        %get3A_505 = vector.shape_cast %get3A_504 : vector<1x1x16xi32> to vector<16xi32>
        %shift_left3A_506 = arith.constant 16 : i32
        %shift_left3A_507 = vector.broadcast %shift_left3A_506 : i32 to vector<16xi32>
        %shift_left3A_508 = arith.shli %get3A_505, %shift_left3A_507 : vector<16xi32>
        %bitcast_convert_type3A_509 = tpu.bitcast %shift_left3A_508 : vector<16xi32> -> vector<16xf32>
        %and3A_510 = arith.andi %get3A_505, %broadcast_in_dim3A_8 : vector<16xi32>
        %bitcast_convert_type3A_511 = tpu.bitcast %and3A_510 : vector<16xi32> -> vector<16xf32>
        %swap3A_512 = arith.index_cast %scan3A_441 : i32 to index
        %swap3A_513 = arith.constant 96 : index
        %swap3A_514 = tpu.vector_load %arg11[%swap3A_512, %swap3A_513] {strides = array<i32>} : memref<128x128xf32, #tpu.memory_space<vmem>>, vector<1x16xf32>,
        %swap3A_515 = vector.shape_cast %swap3A_514 : vector<1x16xf32> to vector<16xf32>
        %swap3A_516 = vector.shape_cast %bitcast_convert_type3A_509 : vector<16xf32> to vector<1x16xf32>
        tpu.vector_store %arg11[%swap3A_512, %swap3A_513], %swap3A_516 {strides = array<i32>} : memref<128x128xf32, #tpu.memory_space<vmem>>, vector<1x16xf32>,
        %swap3A_517 = arith.index_cast %scan3A_441 : i32 to index
        %swap3A_518 = arith.constant 112 : index
        %swap3A_519 = tpu.vector_load %arg11[%swap3A_517, %swap3A_518] {strides = array<i32>} : memref<128x128xf32, #tpu.memory_space<vmem>>, vector<1x16xf32>,
        %swap3A_520 = vector.shape_cast %swap3A_519 : vector<1x16xf32> to vector<16xf32>
        %swap3A_521 = vector.shape_cast %bitcast_convert_type3A_511 : vector<16xf32> to vector<1x16xf32>
        tpu.vector_store %arg11[%swap3A_517, %swap3A_518], %swap3A_521 {strides = array<i32>} : memref<128x128xf32, #tpu.memory_space<vmem>>, vector<1x16xf32>,
      }
      %scan3A_372 = arith.constant 128 : i32
      %jit3A_373 = arith.constant 4 : i32
      %div3A_374 = arith.divsi %while3A_249, %jit3A_373 : i32
      %sign3A_375 = arith.constant 0 : i32
      %sign3A_376 = arith.cmpi sgt, %while3A_249, %sign3A_375 : i32
      %sign3A_377 = arith.extui %sign3A_376 : i1 to i32
      %sign3A_378 = arith.constant 0 : i32
      %sign3A_379 = arith.cmpi slt, %while3A_249, %sign3A_378 : i32
      %sign3A_380 = arith.extui %sign3A_379 : i1 to i32
      %sign3A_381 = arith.subi %sign3A_377, %sign3A_380 : i32
      %sign3A_382 = arith.constant 0 : i32
      %sign3A_383 = arith.cmpi sgt, %jit3A_373, %sign3A_382 : i32
      %sign3A_384 = arith.extui %sign3A_383 : i1 to i32
      %sign3A_385 = arith.constant 0 : i32
      %sign3A_386 = arith.cmpi slt, %jit3A_373, %sign3A_385 : i32
      %sign3A_387 = arith.extui %sign3A_386 : i1 to i32
      %sign3A_388 = arith.subi %sign3A_384, %sign3A_387 : i32
      %ne3A_389 = arith.cmpi ne, %sign3A_381, %sign3A_388 : i32
      %rem3A_390 = arith.remsi %while3A_249, %jit3A_373 : i32
      %ne3A_391 = arith.constant 0 : i32
      %ne3A_392 = arith.cmpi ne, %rem3A_390, %ne3A_391 : i32
      %and3A_393 = arith.andi %ne3A_389, %ne3A_392 : i1
      %sub3A_394 = arith.constant 1 : i32
      %sub3A_395 = arith.subi %div3A_374, %sub3A_394 : i32
      %select_n3A_396 = arith.select %and3A_393, %sub3A_395, %div3A_374 : i32
      %jit3A_397 = arith.constant 2 : i32
      %eq3A_398 = arith.constant 0 : i32
      %eq3A_399 = arith.cmpi eq, %jit3A_397, %eq3A_398 : i32
      %jit3A_400 = arith.constant 1 : i32
      %select_n3A_401 = arith.select %eq3A_399, %jit3A_400, %jit3A_397 : i32
      %rem3A_402 = arith.remsi %select_n3A_396, %select_n3A_401 : i32
      %ne3A_403 = arith.constant 0 : i32
      %ne3A_404 = arith.cmpi ne, %rem3A_402, %ne3A_403 : i32
      %lt3A_405 = arith.constant 0 : i32
      %lt3A_406 = arith.cmpi slt, %rem3A_402, %lt3A_405 : i32
      %lt3A_407 = arith.constant 0 : i32
      %lt3A_408 = arith.cmpi slt, %select_n3A_401, %lt3A_407 : i32
      %ne3A_409 = arith.xori %lt3A_406, %lt3A_408 : i1
      %and3A_410 = arith.andi %ne3A_409, %ne3A_404 : i1
      %add3A_411 = arith.addi %rem3A_402, %select_n3A_401 : i32
      %select_n3A_412 = arith.select %and3A_410, %add3A_411, %rem3A_402 : i32
      %jit3A_413 = arith.constant 4 : i32
      %eq3A_414 = arith.constant 0 : i32
      %eq3A_415 = arith.cmpi eq, %jit3A_413, %eq3A_414 : i32
      %jit3A_416 = arith.constant 1 : i32
      %select_n3A_417 = arith.select %eq3A_415, %jit3A_416, %jit3A_413 : i32
      %rem3A_418 = arith.remsi %while3A_249, %select_n3A_417 : i32
      %ne3A_419 = arith.constant 0 : i32
      %ne3A_420 = arith.cmpi ne, %rem3A_418, %ne3A_419 : i32
      %lt3A_421 = arith.constant 0 : i32
      %lt3A_422 = arith.cmpi slt, %rem3A_418, %lt3A_421 : i32
      %lt3A_423 = arith.constant 0 : i32
      %lt3A_424 = arith.cmpi slt, %select_n3A_417, %lt3A_423 : i32
      %ne3A_425 = arith.xori %lt3A_422, %lt3A_424 : i1
      %and3A_426 = arith.andi %ne3A_425, %ne3A_420 : i1
      %add3A_427 = arith.addi %rem3A_418, %select_n3A_417 : i32
      %select_n3A_428 = arith.select %and3A_426, %add3A_427, %rem3A_418 : i32
      %dma_start3A_429 = arith.constant 0 : i32
      %dma_start3A_430 = tpu.memref_slice %arg9[%select_n3A_412, %select_n3A_428, %dma_start3A_429] : memref<2x4x128xi32, #tpu.memory_space<vmem>> -> memref<1x1x128xi32, #tpu.memory_space<vmem>>
      %dma_start3A_431 = tpu.memref_squeeze %dma_start3A_430 : memref<1x1x128xi32, #tpu.memory_space<vmem>> -> memref<128xi32, #tpu.memory_space<vmem>>
      %dma_start3A_432 = arith.constant 0 : i32
      %dma_start3A_433 = arith.constant 0 : i32
      %dma_start3A_434 = tpu.memref_slice %arg7[%dma_start3A_432, %dma_start3A_433] : memref<10112x128xf32, #tpu.memory_space<vmem_shared>> -> memref<10112x128xf32, #tpu.memory_space<vmem_shared>>
      tpu.enqueue_indirect_dma source(%arg11 : memref<128x128xf32, #tpu.memory_space<vmem>>) target(%dma_start3A_434 : memref<10112x128xf32, #tpu.memory_space<vmem_shared>>) offsets(%dma_start3A_431 : memref<128xi32, #tpu.memory_space<vmem>>) semaphore(%arg14 : memref<!tpu.dma_semaphore, #tpu.memory_space<semaphore_mem>>) {add = true}
      %add3A_435 = arith.constant 2 : i32
      %add3A_436 = arith.addi %while3A_249, %add3A_435 : i32
      %lt3A_437 = arith.cmpi slt, %add3A_436, %select_n3A : i32
      %convert_element_type3A_438 = arith.extui %lt3A_437 : i1 to i32
      %cond3A_439 = arith.constant 0 : i32
      %cond3A_440 = arith.cmpi ne, %convert_element_type3A_438, %cond3A_439 : i32
      scf.if %cond3A_440 {
        %add3A_441 = arith.constant 2 : i32
        %add3A_442 = arith.addi %while3A_249, %add3A_441 : i32
        %dma_start3A_443 = arith.constant 0 : i32
        %dma_start3A_444 = arith.constant 0 : i32
        %dma_start3A_445 = tpu.memref_slice %arg10[%rem3A_251, %dma_start3A_443, %dma_start3A_444] : memref<2x128x64xi32, #tpu.memory_space<vmem>> -> memref<1x128x64xi32, #tpu.memory_space<vmem>>
        %dma_start3A_446 = tpu.memref_squeeze %dma_start3A_445 : memref<1x128x64xi32, #tpu.memory_space<vmem>> -> memref<128x64xi32, #tpu.memory_space<vmem>>
        %dma_start3A_447 = arith.constant 0 : i32
        %dma_start3A_448 = tpu.memref_slice %arg8[%add3A_442, %dma_start3A_447] : memref<80x128xi32, #tpu.memory_space<vmem>> -> memref<1x128xi32, #tpu.memory_space<vmem>>
        %dma_start3A_449 = tpu.memref_squeeze %dma_start3A_448 : memref<1x128xi32, #tpu.memory_space<vmem>> -> memref<128xi32, #tpu.memory_space<vmem>>
        %dma_start3A_450 = arith.constant 0 : i32
        %dma_start3A_451 = arith.constant 0 : i32
        %dma_start3A_452 = tpu.memref_slice %arg2[%dma_start3A_450, %dma_start3A_451] : memref<10000x64xi32, #tpu.memory_space<hbm>> -> memref<10000x64xi32, #tpu.memory_space<hbm>>
        %dma_start3A_453 = tpu.memref_slice %arg13[%rem3A_251] : memref<2x!tpu.dma_semaphore, #tpu.memory_space<semaphore_mem>> -> memref<1x!tpu.dma_semaphore, #tpu.memory_space<semaphore_mem>>
        %dma_start3A_454 = tpu.memref_squeeze %dma_start3A_453 : memref<1x!tpu.dma_semaphore, #tpu.memory_space<semaphore_mem>> -> memref<!tpu.dma_semaphore, #tpu.memory_space<semaphore_mem>>
        tpu.enqueue_indirect_dma source(%dma_start3A_452 : memref<10000x64xi32, #tpu.memory_space<hbm>>) target(%dma_start3A_446 : memref<128x64xi32, #tpu.memory_space<vmem>>) offsets(%dma_start3A_449 : memref<128xi32, #tpu.memory_space<vmem>>) semaphore(%dma_start3A_454 : memref<!tpu.dma_semaphore, #tpu.memory_space<semaphore_mem>>)
      } else {
      }
    }
    %sub3A = arith.constant 1 : i32
    %sub3A_159 = arith.subi %select_n3A, %sub3A : i32
    %jit3A_160 = arith.constant 4 : i32
    %div3A = arith.divsi %sub3A_159, %jit3A_160 : i32
    %sign3A = arith.constant 0 : i32
    %sign3A_161 = arith.cmpi sgt, %sub3A_159, %sign3A : i32
    %sign3A_162 = arith.extui %sign3A_161 : i1 to i32
    %sign3A_163 = arith.constant 0 : i32
    %sign3A_164 = arith.cmpi slt, %sub3A_159, %sign3A_163 : i32
    %sign3A_165 = arith.extui %sign3A_164 : i1 to i32
    %sign3A_166 = arith.subi %sign3A_162, %sign3A_165 : i32
    %sign3A_167 = arith.constant 0 : i32
    %sign3A_168 = arith.cmpi sgt, %jit3A_160, %sign3A_167 : i32
    %sign3A_169 = arith.extui %sign3A_168 : i1 to i32
    %sign3A_170 = arith.constant 0 : i32
    %sign3A_171 = arith.cmpi slt, %jit3A_160, %sign3A_170 : i32
    %sign3A_172 = arith.extui %sign3A_171 : i1 to i32
    %sign3A_173 = arith.subi %sign3A_169, %sign3A_172 : i32
    %ne3A = arith.cmpi ne, %sign3A_166, %sign3A_173 : i32
    %rem3A = arith.remsi %sub3A_159, %jit3A_160 : i32
    %ne3A_174 = arith.constant 0 : i32
    %ne3A_175 = arith.cmpi ne, %rem3A, %ne3A_174 : i32
    %and3A = arith.andi %ne3A, %ne3A_175 : i1
    %sub3A_176 = arith.constant 1 : i32
    %sub3A_177 = arith.subi %div3A, %sub3A_176 : i32
    %select_n3A_178 = arith.select %and3A, %sub3A_177, %div3A : i32
    %jit3A_179 = arith.constant 2 : i32
    %eq3A_180 = arith.constant 0 : i32
    %eq3A_181 = arith.cmpi eq, %jit3A_179, %eq3A_180 : i32
    %jit3A_182 = arith.constant 1 : i32
    %select_n3A_183 = arith.select %eq3A_181, %jit3A_182, %jit3A_179 : i32
    %rem3A_184 = arith.remsi %select_n3A_178, %select_n3A_183 : i32
    %ne3A_185 = arith.constant 0 : i32
    %ne3A_186 = arith.cmpi ne, %rem3A_184, %ne3A_185 : i32
    %lt3A = arith.constant 0 : i32
    %lt3A_187 = arith.cmpi slt, %rem3A_184, %lt3A : i32
    %lt3A_188 = arith.constant 0 : i32
    %lt3A_189 = arith.cmpi slt, %select_n3A_183, %lt3A_188 : i32
    %ne3A_190 = arith.xori %lt3A_187, %lt3A_189 : i1
    %and3A_191 = arith.andi %ne3A_190, %ne3A_186 : i1
    %add3A_192 = arith.addi %rem3A_184, %select_n3A_183 : i32
    %select_n3A_193 = arith.select %and3A_191, %add3A_192, %rem3A_184 : i32
    %jit3A_194 = arith.constant 4 : i32
    %eq3A_195 = arith.constant 0 : i32
    %eq3A_196 = arith.cmpi eq, %jit3A_194, %eq3A_195 : i32
    %jit3A_197 = arith.constant 1 : i32
    %select_n3A_198 = arith.select %eq3A_196, %jit3A_197, %jit3A_194 : i32
    %rem3A_199 = arith.remsi %sub3A_159, %select_n3A_198 : i32
    %ne3A_200 = arith.constant 0 : i32
    %ne3A_201 = arith.cmpi ne, %rem3A_199, %ne3A_200 : i32
    %lt3A_202 = arith.constant 0 : i32
    %lt3A_203 = arith.cmpi slt, %rem3A_199, %lt3A_202 : i32
    %lt3A_204 = arith.constant 0 : i32
    %lt3A_205 = arith.cmpi slt, %select_n3A_198, %lt3A_204 : i32
    %ne3A_206 = arith.xori %lt3A_203, %lt3A_205 : i1
    %and3A_207 = arith.andi %ne3A_206, %ne3A_201 : i1
    %add3A_208 = arith.addi %rem3A_199, %select_n3A_198 : i32
    %select_n3A_209 = arith.select %and3A_207, %add3A_208, %rem3A_199 : i32
    %dma_wait3A_210 = arith.constant 0 : i32
    %dma_wait3A_211 = tpu.memref_slice %arg9[%select_n3A_193, %select_n3A_209, %dma_wait3A_210] : memref<2x4x128xi32, #tpu.memory_space<vmem>> -> memref<1x1x128xi32, #tpu.memory_space<vmem>>
    %dma_wait3A_212 = tpu.memref_squeeze %dma_wait3A_211 : memref<1x1x128xi32, #tpu.memory_space<vmem>> -> memref<128xi32, #tpu.memory_space<vmem>>
    %dma_wait3A_213 = arith.constant 0 : i32
    %dma_wait3A_214 = arith.constant 0 : i32
    %dma_wait3A_215 = tpu.memref_slice %arg7[%dma_wait3A_213, %dma_wait3A_214] : memref<10112x128xf32, #tpu.memory_space<vmem_shared>> -> memref<10112x128xf32, #tpu.memory_space<vmem_shared>>
    tpu.wait_indirect_dma semaphore(%arg14 : memref<!tpu.dma_semaphore, #tpu.memory_space<semaphore_mem>>) src(%arg11 : memref<128x128xf32, #tpu.memory_space<vmem>>) dst(%dma_wait3A_215 : memref<10112x128xf32, #tpu.memory_space<vmem_shared>>)
    %barrier3A_216 = arith.constant 0 : index
    tpu.barrier barrier_id(%barrier3A_216)
    %eq3A_217 = arith.constant 0 : i32
    %eq3A_218 = arith.cmpi eq, %arg0, %eq3A_217 : i32
    %lt3A_219 = arith.constant 15 : i32
    %lt3A_220 = arith.cmpi slt, %arg1, %lt3A_219 : i32
    %and3A_221 = arith.andi %eq3A_218, %lt3A_220 : i1
    %convert_element_type3A_222 = arith.extui %and3A_221 : i1 to i32
    %cond3A_223 = arith.constant 0 : i32
    %cond3A_224 = arith.cmpi ne, %convert_element_type3A_222, %cond3A_223 : i32
    scf.if %cond3A_224 {
      %mul3A_249 = arith.constant 624 : i32
      %mul3A_250 = arith.muli %arg1, %mul3A_249 : i32
      %mul3A_251 = arith.constant 624 : i32
      %mul3A_252 = arith.muli %arg1, %mul3A_251 : i32
      "tpu.region"() ({
        %run_scoped3A = tpu.sem_alloc : memref<!tpu.dma_semaphore, #tpu.memory_space<semaphore_mem>>
        %dma_start3A_253 = arith.constant 0 : i32
        %dma_start3A_254 = tpu.memref_slice %arg5[%mul3A_252, %dma_start3A_253] : memref<10000x128xf32, #tpu.memory_space<hbm>> -> memref<624x128xf32, #tpu.memory_space<hbm>>
        %dma_start3A_255 = arith.constant 0 : i32
        %dma_start3A_256 = tpu.memref_slice %arg7[%mul3A_250, %dma_start3A_255] : memref<10112x128xf32, #tpu.memory_space<vmem_shared>> -> memref<624x128xf32, #tpu.memory_space<vmem_shared>>
        tpu.enqueue_dma source(%dma_start3A_256 : memref<624x128xf32, #tpu.memory_space<vmem_shared>>) target(%dma_start3A_254 : memref<624x128xf32, #tpu.memory_space<hbm>>) target_semaphore(%run_scoped3A : memref<!tpu.dma_semaphore, #tpu.memory_space<semaphore_mem>>)
        %dma_wait3A_257 = arith.constant 0 : i32
        %dma_wait3A_258 = tpu.memref_slice %arg5[%mul3A_252, %dma_wait3A_257] : memref<10000x128xf32, #tpu.memory_space<hbm>> -> memref<624x128xf32, #tpu.memory_space<hbm>>
        %dma_wait3A_259 = arith.constant 0 : i32
        %dma_wait3A_260 = tpu.memref_slice %arg7[%mul3A_250, %dma_wait3A_259] : memref<10112x128xf32, #tpu.memory_space<vmem_shared>> -> memref<624x128xf32, #tpu.memory_space<vmem_shared>>
        tpu.wait_dma2 semaphore(%run_scoped3A : memref<!tpu.dma_semaphore, #tpu.memory_space<semaphore_mem>>) src(%dma_wait3A_260 : memref<624x128xf32, #tpu.memory_space<vmem_shared>>) dst(%dma_wait3A_258 : memref<624x128xf32, #tpu.memory_space<hbm>>)
        tpu.yield
      }) : () -> ()
    } else {
    }
    %eq3A_225 = arith.constant 0 : i32
    %eq3A_226 = arith.cmpi eq, %arg0, %eq3A_225 : i32
    %eq3A_227 = arith.constant 15 : i32
    %eq3A_228 = arith.cmpi eq, %arg1, %eq3A_227 : i32
    %and3A_229 = arith.andi %eq3A_226, %eq3A_228 : i1
    %convert_element_type3A_230 = arith.extui %and3A_229 : i1 to i32
    %cond3A_231 = arith.constant 0 : i32
    %cond3A_232 = arith.cmpi ne, %convert_element_type3A_230, %cond3A_231 : i32
    scf.if %cond3A_232 {
      "tpu.region"() ({
        %run_scoped3A = tpu.sem_alloc : memref<!tpu.dma_semaphore, #tpu.memory_space<semaphore_mem>>
        %dma_start3A_249 = arith.constant 9360 : i32
        %dma_start3A_250 = arith.constant 0 : i32
        %dma_start3A_251 = tpu.memref_slice %arg5[%dma_start3A_249, %dma_start3A_250] : memref<10000x128xf32, #tpu.memory_space<hbm>> -> memref<640x128xf32, #tpu.memory_space<hbm>>
        %dma_start3A_252 = arith.constant 9360 : i32
        %dma_start3A_253 = arith.constant 0 : i32
        %dma_start3A_254 = tpu.memref_slice %arg7[%dma_start3A_252, %dma_start3A_253] : memref<10112x128xf32, #tpu.memory_space<vmem_shared>> -> memref<640x128xf32, #tpu.memory_space<vmem_shared>>
        tpu.enqueue_dma source(%dma_start3A_254 : memref<640x128xf32, #tpu.memory_space<vmem_shared>>) target(%dma_start3A_251 : memref<640x128xf32, #tpu.memory_space<hbm>>) target_semaphore(%run_scoped3A : memref<!tpu.dma_semaphore, #tpu.memory_space<semaphore_mem>>)
        %dma_wait3A_255 = arith.constant 9360 : i32
        %dma_wait3A_256 = arith.constant 0 : i32
        %dma_wait3A_257 = tpu.memref_slice %arg5[%dma_wait3A_255, %dma_wait3A_256] : memref<10000x128xf32, #tpu.memory_space<hbm>> -> memref<640x128xf32, #tpu.memory_space<hbm>>
        %dma_wait3A_258 = arith.constant 9360 : i32
        %dma_wait3A_259 = arith.constant 0 : i32
        %dma_wait3A_260 = tpu.memref_slice %arg7[%dma_wait3A_258, %dma_wait3A_259] : memref<10112x128xf32, #tpu.memory_space<vmem_shared>> -> memref<640x128xf32, #tpu.memory_space<vmem_shared>>
        tpu.wait_dma2 semaphore(%run_scoped3A : memref<!tpu.dma_semaphore, #tpu.memory_space<semaphore_mem>>) src(%dma_wait3A_260 : memref<640x128xf32, #tpu.memory_space<vmem_shared>>) dst(%dma_wait3A_257 : memref<640x128xf32, #tpu.memory_space<hbm>>)
        tpu.yield
      }) : () -> ()
    } else {
    }
    %eq3A_233 = arith.constant 1 : i32
    %eq3A_234 = arith.cmpi eq, %arg0, %eq3A_233 : i32
    %lt3A_235 = arith.constant 15 : i32
    %lt3A_236 = arith.cmpi slt, %arg1, %lt3A_235 : i32
    %and3A_237 = arith.andi %eq3A_234, %lt3A_236 : i1
    %convert_element_type3A_238 = arith.extui %and3A_237 : i1 to i32
    %cond3A_239 = arith.constant 0 : i32
    %cond3A_240 = arith.cmpi ne, %convert_element_type3A_238, %cond3A_239 : i32
    scf.if %cond3A_240 {
      %mul3A_249 = arith.constant 624 : i32
      %mul3A_250 = arith.muli %arg1, %mul3A_249 : i32
      %mul3A_251 = arith.constant 624 : i32
      %mul3A_252 = arith.muli %arg1, %mul3A_251 : i32
      "tpu.region"() ({
        %run_scoped3A = tpu.sem_alloc : memref<!tpu.dma_semaphore, #tpu.memory_space<semaphore_mem>>
        %dma_start3A_253 = arith.constant 0 : i32
        %dma_start3A_254 = tpu.memref_slice %arg6[%mul3A_252, %dma_start3A_253] : memref<10000x128xf32, #tpu.memory_space<hbm>> -> memref<624x128xf32, #tpu.memory_space<hbm>>
        %dma_start3A_255 = arith.constant 0 : i32
        %dma_start3A_256 = tpu.memref_slice %arg7[%mul3A_250, %dma_start3A_255] : memref<10112x128xf32, #tpu.memory_space<vmem_shared>> -> memref<624x128xf32, #tpu.memory_space<vmem_shared>>
        tpu.enqueue_dma source(%dma_start3A_256 : memref<624x128xf32, #tpu.memory_space<vmem_shared>>) target(%dma_start3A_254 : memref<624x128xf32, #tpu.memory_space<hbm>>) target_semaphore(%run_scoped3A : memref<!tpu.dma_semaphore, #tpu.memory_space<semaphore_mem>>)
        %dma_wait3A_257 = arith.constant 0 : i32
        %dma_wait3A_258 = tpu.memref_slice %arg6[%mul3A_252, %dma_wait3A_257] : memref<10000x128xf32, #tpu.memory_space<hbm>> -> memref<624x128xf32, #tpu.memory_space<hbm>>
        %dma_wait3A_259 = arith.constant 0 : i32
        %dma_wait3A_260 = tpu.memref_slice %arg7[%mul3A_250, %dma_wait3A_259] : memref<10112x128xf32, #tpu.memory_space<vmem_shared>> -> memref<624x128xf32, #tpu.memory_space<vmem_shared>>
        tpu.wait_dma2 semaphore(%run_scoped3A : memref<!tpu.dma_semaphore, #tpu.memory_space<semaphore_mem>>) src(%dma_wait3A_260 : memref<624x128xf32, #tpu.memory_space<vmem_shared>>) dst(%dma_wait3A_258 : memref<624x128xf32, #tpu.memory_space<hbm>>)
        tpu.yield
      }) : () -> ()
    } else {
    }
    %eq3A_241 = arith.constant 1 : i32
    %eq3A_242 = arith.cmpi eq, %arg0, %eq3A_241 : i32
    %eq3A_243 = arith.constant 15 : i32
    %eq3A_244 = arith.cmpi eq, %arg1, %eq3A_243 : i32
    %and3A_245 = arith.andi %eq3A_242, %eq3A_244 : i1
    %convert_element_type3A_246 = arith.extui %and3A_245 : i1 to i32
    %cond3A_247 = arith.constant 0 : i32
    %cond3A_248 = arith.cmpi ne, %convert_element_type3A_246, %cond3A_247 : i32
    scf.if %cond3A_248 {
      "tpu.region"() ({
        %run_scoped3A = tpu.sem_alloc : memref<!tpu.dma_semaphore, #tpu.memory_space<semaphore_mem>>
        %dma_start3A_249 = arith.constant 9360 : i32
        %dma_start3A_250 = arith.constant 0 : i32
        %dma_start3A_251 = tpu.memref_slice %arg6[%dma_start3A_249, %dma_start3A_250] : memref<10000x128xf32, #tpu.memory_space<hbm>> -> memref<640x128xf32, #tpu.memory_space<hbm>>
        %dma_start3A_252 = arith.constant 9360 : i32
        %dma_start3A_253 = arith.constant 0 : i32
        %dma_start3A_254 = tpu.memref_slice %arg7[%dma_start3A_252, %dma_start3A_253] : memref<10112x128xf32, #tpu.memory_space<vmem_shared>> -> memref<640x128xf32, #tpu.memory_space<vmem_shared>>
        tpu.enqueue_dma source(%dma_start3A_254 : memref<640x128xf32, #tpu.memory_space<vmem_shared>>) target(%dma_start3A_251 : memref<640x128xf32, #tpu.memory_space<hbm>>) target_semaphore(%run_scoped3A : memref<!tpu.dma_semaphore, #tpu.memory_space<semaphore_mem>>)
        %dma_wait3A_255 = arith.constant 9360 : i32
        %dma_wait3A_256 = arith.constant 0 : i32
        %dma_wait3A_257 = tpu.memref_slice %arg6[%dma_wait3A_255, %dma_wait3A_256] : memref<10000x128xf32, #tpu.memory_space<hbm>> -> memref<640x128xf32, #tpu.memory_space<hbm>>
        %dma_wait3A_258 = arith.constant 9360 : i32
        %dma_wait3A_259 = arith.constant 0 : i32
        %dma_wait3A_260 = tpu.memref_slice %arg7[%dma_wait3A_258, %dma_wait3A_259] : memref<10112x128xf32, #tpu.memory_space<vmem_shared>> -> memref<640x128xf32, #tpu.memory_space<vmem_shared>>
        tpu.wait_dma2 semaphore(%run_scoped3A : memref<!tpu.dma_semaphore, #tpu.memory_space<semaphore_mem>>) src(%dma_wait3A_260 : memref<640x128xf32, #tpu.memory_space<vmem_shared>>) dst(%dma_wait3A_257 : memref<640x128xf32, #tpu.memory_space<hbm>>)
        tpu.yield
      }) : () -> ()
    } else {
    }
    return
  }
}

module attributes {stable_mosaic.version = 14 : i64} {
  func.func @_dense_body(%arg0: i32, %arg1: memref<1000x24xf32, #tpu.memory_space<vmem>>, %arg2: memref<24x128xf32, #tpu.memory_space<vmem>>, %arg3: memref<1000x128xf32, #tpu.memory_space<vmem>>, %arg4: memref<1000x128xf32, #tpu.memory_space<vmem>>, %arg5: memref<128x128xf32, #tpu.memory_space<vmem>>, %arg6: memref<1000x128xf32, #tpu.memory_space<vmem>>) attributes {dimension_semantics = [#tpu.dimension_semantics<arbitrary>], iteration_bounds = array<i64: 10>, scalar_prefetch = 0 : i64, scratch_operands = 0 : i64, tpu.core_type = #tpu.core_type<tc>, window_params = [{transform_indices = @transform_0, window_bounds = array<i64: 1000, 24>}, {pipeline_mode = #tpu.pipeline_mode<synchronous>, transform_indices = @transform_1, window_bounds = array<i64: 24, 128>}, {transform_indices = @transform_2, window_bounds = array<i64: 1000, 128>}, {transform_indices = @transform_3, window_bounds = array<i64: 1000, 128>}, {pipeline_mode = #tpu.pipeline_mode<synchronous>, transform_indices = @transform_4, window_bounds = array<i64: 128, 128>}, {transform_indices = @transform_5, window_bounds = array<i64: 1000, 128>}]} {
    %get3A = arith.constant 0 : index
    %get3A_0 = arith.constant 0 : index
    %get3A_1 = vector.load %arg1[%get3A, %get3A_0] : memref<1000x24xf32, #tpu.memory_space<vmem>>, vector<1000x24xf32>
    %get3A_2 = arith.constant 0 : index
    %get3A_3 = arith.constant 0 : index
    %get3A_4 = vector.load %arg2[%get3A_2, %get3A_3] : memref<24x128xf32, #tpu.memory_space<vmem>>, vector<24x128xf32>
    %dot_general3A = arith.constant dense<0.000000e+00> : vector<1000x128xf32>
    %dot_general3A_5 = tpu.matmul %get3A_1, %get3A_4, %dot_general3A {dimension_numbers = #tpu.dot_dimension_numbers<[1], [0], [0], [1], [0, 0, 1, 1], [], []>, transpose_lhs_hint = false} : vector<1000x24xf32>, vector<24x128xf32>, vector<1000x128xf32> -> vector<1000x128xf32>
    %get3A_6 = arith.constant 0 : index
    %get3A_7 = arith.constant 0 : index
    %get3A_8 = vector.load %arg3[%get3A_6, %get3A_7] : memref<1000x128xf32, #tpu.memory_space<vmem>>, vector<1000x128xf32>
    %get3A_9 = arith.constant 0 : index
    %get3A_10 = arith.constant 0 : index
    %get3A_11 = vector.load %arg4[%get3A_9, %get3A_10] : memref<1000x128xf32, #tpu.memory_space<vmem>>, vector<1000x128xf32>
    %add3A = arith.addf %get3A_8, %get3A_11 : vector<1000x128xf32>
    %get3A_12 = arith.constant 0 : index
    %get3A_13 = arith.constant 0 : index
    %get3A_14 = vector.load %arg5[%get3A_12, %get3A_13] : memref<128x128xf32, #tpu.memory_space<vmem>>, vector<128x128xf32>
    %dot_general3A_15 = arith.constant dense<0.000000e+00> : vector<1000x128xf32>
    %dot_general3A_16 = tpu.matmul %add3A, %get3A_14, %dot_general3A_15 {dimension_numbers = #tpu.dot_dimension_numbers<[1], [0], [0], [1], [0, 0, 1, 1], [], []>, transpose_lhs_hint = false} : vector<1000x128xf32>, vector<128x128xf32>, vector<1000x128xf32> -> vector<1000x128xf32>
    %add3A_17 = arith.addf %dot_general3A_5, %dot_general3A_16 : vector<1000x128xf32>
    %max3A = arith.constant 0.000000e+00 : f32
    %max3A_18 = vector.broadcast %max3A : f32 to vector<1000x128xf32>
    %max3A_19 = arith.maximumf %add3A_17, %max3A_18 : vector<1000x128xf32>
    %swap3A = arith.constant 0 : index
    %swap3A_20 = arith.constant 0 : index
    %swap3A_21 = vector.load %arg6[%swap3A, %swap3A_20] : memref<1000x128xf32, #tpu.memory_space<vmem>>, vector<1000x128xf32>
    tpu.vector_store %arg6[%swap3A, %swap3A_20], %max3A_19 {strides = array<i32>} : memref<1000x128xf32, #tpu.memory_space<vmem>>, vector<1000x128xf32>,
    return
  }
  func.func @transform_0(%arg0: i32) -> (i32, i32) {
    %c0_i32 = arith.constant 0 : i32
    %c0_i32_0 = arith.constant 0 : i32
    return %arg0, %c0_i32 : i32, i32
  }
  func.func @transform_1(%arg0: i32) -> (i32, i32) {
    %c0_i32 = arith.constant 0 : i32
    %c0_i32_0 = arith.constant 0 : i32
    %c0_i32_1 = arith.constant 0 : i32
    return %c0_i32, %c0_i32_0 : i32, i32
  }
  func.func @transform_2(%arg0: i32) -> (i32, i32) {
    %c0_i32 = arith.constant 0 : i32
    %c0_i32_0 = arith.constant 0 : i32
    return %arg0, %c0_i32 : i32, i32
  }
  func.func @transform_3(%arg0: i32) -> (i32, i32) {
    %c0_i32 = arith.constant 0 : i32
    %c0_i32_0 = arith.constant 0 : i32
    return %arg0, %c0_i32 : i32, i32
  }
  func.func @transform_4(%arg0: i32) -> (i32, i32) {
    %c0_i32 = arith.constant 0 : i32
    %c0_i32_0 = arith.constant 0 : i32
    %c0_i32_1 = arith.constant 0 : i32
    return %c0_i32, %c0_i32_0 : i32, i32
  }
  func.func @transform_5(%arg0: i32) -> (i32, i32) {
    %c0_i32 = arith.constant 0 : i32
    %c0_i32_0 = arith.constant 0 : i32
    return %arg0, %c0_i32 : i32, i32
  }
}

</mosaic_0001>

<sc_bundles>
// kernel: kernel.4.cloned.1.call-start
scs
__scs_entry_jumppad:
0x0: {  	(pc) =	sbr.rel $0x88, $3  }
0x1: {  	(tag) =	ssettag $0x0;
	lr =	simm.s32 $0x1  }
0x2: {  	[smem:$0x3F9C] =	sst lr;
	_ =	strace $0xD0000000  }
0x3: {  	_ = 	snop  }
0x4: {  	_ = 	snop  }
0x5: {  	_ = 	snop  }
0x6: {  	_ = 	snop  }
0x7: {  	_ = 	snop  }
__scs_overlays_trampoline_lowered:
0x8: {  	[smem:$0x3FAB] =	sst s0  }
0x9: {  	[smem:$0x3FAC] =	sst s1  }
0xa: {  	[smem:$0x3FAD] =	sst s2  }
0xb: {  	[smem:$0x3FAE] =	sst s3  }
0xc: {  	[smem:$0x3FAF] =	sst s4  }
0xd: {  	[smem:$0x3FB0] =	sst s5  }
0xe: {  	[smem:$0x3FB1] =	sst s6  }
0xf: {  	[smem:$0x3FB2] =	sst s7  }
0x10: {  	[smem:$0x3FB3] =	sst s8  }
0x11: {  	[smem:$0x3FB4] =	sst s9;
	s0 =	simm.s32 @!p0 $0x0  }
0x12: {  	s1 =	sld [smem:$0x3F9A];
	s0 =	simm.s32 @p0 $0x1  }
0x13: {  	[smem:$0x3FB5] =	sst s0;
	s0 =	simm.s32 @!p1 $0x0  }
0x14: {  	s2 =	sld [smem:$0x3F99];
	s0 =	simm.s32 @p1 $0x1  }
0x15: {  	[smem:$0x3FB6] =	sst s0;
	s0 =	simm.s32 @!p2 $0x0  }
0x16: {  	s3 =	sld [smem:$0x3FDB];
	s0 =	simm.s32 @p2 $0x1  }
0x17: {  	s4 =	simm.s32 $0x1BF5;
	[smem:$0x3FB8] =	sst s0  }
0x18: {  	s0 =	sld [smem:$0x3F9B];
	_ =	swait.ge [sflag:s4], $0x0  }
0x19: {  	s7 =	sld [smem:$0x3F9C]  }
0x1a: {  	s8 =	sadd.s32 $0xFFFFE003, lr  }
0x1b: {  	s9 =	sadd.s32 $0xFFFFFEF7, lr;
	s5 =	simm.s32 $0xFFFFFFFF;
	p2 =	slt.u32 s8, $0xFFFFF086  }
0x1c: {  	p1 =	slt.u32 s9, $0xF7A;
	s5 =	simm.s32 @!p2 $0x0  }
0x1d: {  	s5 =	simm.s32 @p1 $0x1;
	p0 =	seq.s32 s7, s2  }
0x1e: {  	s7 =	smul.u32 @!p0 $0xF7A, s2;
	p2 =	seq.s32 @!p0 s5, $0x0  }
0x1f: {  	s9 =	smul.u32 $0xF7A, s1;
	s8 =	simm.s32 @!p0 $0x1BF5;
	p2 =	por !p2, p0  }
0x20: {  	[sflag:s8] =	ssyncset.s32 @!p0 $0xFFFFF086;
	s6 =	sadd.s32 @!p0 s3, s7;
	s7 =	simm.s32 @!p0 $0x108  }
0x21: {  	s3 =	sadd.s32 s3, s9;
	s6 =	sadd.s32 @!p0 $0x88, s6;
	s7 =	simm.s32 @p2 $0x1082  }
0x22: {  	[simem:s7], [sflag:s8] =	dma.local @!p0 [hbm:s6], $0xF7A  }
0x23: {  	s9 =	sor.u32 $0xD0000000, s2;
	s6 =	simm.s32 $0x108;
	_ =	swait.ge @!p0 [sflag:s8], $0x0  }
0x24: {  	s3 =	sadd.s32 $0x88, s3;
	s6 =	simm.s32 @!p1 $0x1082;
	[sflag:s4] =	ssyncset.s32 $0xFFFFF086  }
0x25: {  	[simem:s6], [sflag:s4] =	dma.local [hbm:s3], $0xF7A  }
0x26: {  	[smem:$0x3F9C] =	sst s1;
	(tag) =	ssettag s2;
	_ =	strace s9  }
0x27: {  	s1 =	sld [smem:$0x3FAC]  }
0x28: {  	s2 =	sld [smem:$0x3FAD]  }
0x29: {  	s4 =	sld [smem:$0x3FAF]  }
0x2a: {  	p0 =	seq.s32 s5, $0x0;
	s5 =	sld [smem:$0x3FB0]  }
0x2b: {  	s6 =	sld [smem:$0x3FB1]  }
0x2c: {  	s7 =	sld [smem:$0x3FB2]  }
0x2d: {  	s3 =	simm.s32 $0x108;
	s8 =	sld [smem:$0x3FB3]  }
0x2e: {  	s3 =	simm.s32 @!p0 $0x1082;
	s9 =	sld [smem:$0x3FB4]  }
0x2f: {  	lr =	sadd.s32 s0, s3;
	s0 =	sld [smem:$0x3FAB]  }
0x30: {  	s3 =	sld [smem:$0x3FAE]  }
0x31: {  	[smem:$0x3FB7] =	sst s10  }
0x32: {  	s10 =	sld [smem:$0x3FB5];
	_ =	sdelay $0x3  }
0x33: {  	p0 =	seq.s32 s10, $0x1;
	s10 =	sld [smem:$0x3FB7];
	_ =	sdelay $0x3  }
0x34: {  	[smem:$0x3FB7] =	sst s10  }
0x35: {  	s10 =	sld [smem:$0x3FB6];
	_ =	sdelay $0x3  }
0x36: {  	p1 =	seq.s32 s10, $0x1;
	s10 =	sld [smem:$0x3FB7];
	_ =	sdelay $0x3  }
0x37: {  	[smem:$0x3FB7] =	sst s10  }
0x38: {  	s10 =	sld [smem:$0x3FB8]  }
0x39: {  	_ = 	snop;
	(pc) =	sbr.ind lr, $3  }
0x3a: {  	_ = 	snop  }
0x3b: {  	_ = 	snop  }
0x3c: {  	p2 =	seq.s32 s10, $0x1;
	s10 =	sld [smem:$0x3FB7]  }
0x3d: {  	_ =	shalt  }
0x3e: {  	_ =	shalt  }
0x3f: {  	_ =	shalt  }
0x40: {  	_ =	shalt  }
0x41: {  	_ =	shalt  }
0x42: {  	_ =	shalt  }
0x43: {  	_ =	shalt  }
0x44: {  	_ =	shalt  }
0x45: {  	_ =	shalt  }
0x46: {  	_ =	shalt  }
0x47: {  	_ =	shalt  }
0x48: {  	_ =	shalt  }
0x49: {  	_ =	shalt  }
0x4a: {  	_ =	shalt  }
0x4b: {  	_ =	shalt  }
0x4c: {  	_ =	shalt  }
0x4d: {  	_ =	shalt  }
0x4e: {  	_ =	shalt  }
0x4f: {  	_ =	shalt  }
0x50: {  	_ =	shalt  }
0x51: {  	_ =	shalt  }
0x52: {  	_ =	shalt  }
0x53: {  	_ =	shalt  }
0x54: {  	_ =	shalt  }
0x55: {  	_ =	shalt  }
0x56: {  	_ =	shalt  }
0x57: {  	_ =	shalt  }
0x58: {  	_ =	shalt  }
0x59: {  	_ =	shalt  }
0x5a: {  	_ =	shalt  }
0x5b: {  	_ =	shalt  }
0x5c: {  	_ =	shalt  }
0x5d: {  	_ =	shalt  }
0x5e: {  	_ =	shalt  }
0x5f: {  	_ =	shalt  }
0x60: {  	_ =	shalt  }
0x61: {  	_ =	shalt  }
0x62: {  	_ =	shalt  }
0x63: {  	_ =	shalt  }
0x64: {  	_ =	shalt  }
0x65: {  	_ =	shalt  }
0x66: {  	_ =	shalt  }
0x67: {  	_ =	shalt  }
0x68: {  	_ =	shalt  }
0x69: {  	_ =	shalt  }
0x6a: {  	_ =	shalt  }
0x6b: {  	_ =	shalt  }
0x6c: {  	_ =	shalt  }
0x6d: {  	_ =	shalt  }
0x6e: {  	_ =	shalt  }
0x6f: {  	_ =	shalt  }
0x70: {  	_ =	shalt  }
0x71: {  	_ =	shalt  }
0x72: {  	_ =	shalt  }
0x73: {  	_ =	shalt  }
0x74: {  	_ =	shalt  }
0x75: {  	_ =	shalt  }
0x76: {  	_ =	shalt  }
0x77: {  	_ =	shalt  }
0x78: {  	_ =	shalt  }
0x79: {  	_ =	shalt  }
0x7a: {  	_ =	shalt  }
0x7b: {  	_ =	shalt  }
0x7c: {  	_ =	shalt  }
0x7d: {  	_ =	shalt  }
0x7e: {  	_ =	shalt  }
0x7f: {  	_ =	shalt  }
0x80: {  	_ =	shalt  }
0x81: {  	_ =	shalt  }
0x82: {  	_ =	shalt  }
0x83: {  	_ =	shalt  }
0x84: {  	_ =	shalt  }
0x85: {  	_ =	shalt  }
0x86: {  	_ =	shalt  }
0x87: {  	_ =	shalt  }
.Lfunc_end0:
.L_simem_size_0:
called_computation_lowered:
.L_overlay_start_0:
0x88: {  	s2 =	sld [smem:$0x3FD9]  }
0x89: {  	s3 =	sld [smem:$0x3FFE];
	_ =	sdelay $0x1  }
0x8a: {  	s1 =	srdreg.scid  }
0x8b: {  	s0 =	sand.u32 $0x1, s1  }
0x8c: {  	s17 =	sshll.u32 s0, $0xA;
	s2 =	sadd.s32 s3, s2  }
0x8d: {  	s2 =	sadd.s32 s2, s17  }
0x8e: {  	[smem:$0x3FC3] =	sst s2  }
0x8f: {  	_ = 	snop  }
0x90: {  	s2 =	sld [smem:$0x3FD0];
	(tm) =	ssettm $0x1  }
0x91: {  	s18 =	sld [smem:$0x3FFB];
	_ =	sdelay $0x3  }
0x92: {  	_ =	strace s18  }
0x93: {  	s3 =	sld [smem:$0x3FFC];
	_ =	sdelay $0x3  }
0x94: {  	_ =	strace s3  }
0x95: {  	s3 =	sld [smem:$0x3FFD];
	_ =	sdelay $0x3  }
0x96: {  	_ =	strace s3  }
0x97: {  	_ =	strace $0x8FFFFFFF  }
0x98: {  	s19 =	sld [smem:$0x3FDB];
	_ =	sdelay $0x1  }
0x99: {  	s4 =	simm.s32 $_scs_section_size  }
0x9a: {  	s5 =	simm.s32 $_size__tile_overlayer_lowered;
	s6 =	simm.s32 $_tile_overlayer_lowered  }
0x9b: {  	s22 =	simm.s32 $0x1BFF;
	s21 =	sshll.u32 s6, $0x1;
	s3 =	sadd.s32 s4, s19  }
0x9c: {  	s7 =	simm.s32 $0x0;
	s20 =	sshll.u32 s5, $0x1;
	s5 =	sadd.s32 s21, s3  }
0x9d: {  	[timem:s7], [sflag:s22] =	dma.local [hbm:s5], s20  }
0x9e: {  	_ =	swait.ge [sflag:s22], s20  }
0x9f: {  	s4 =	ssub.s32 $0x0, s20;
	[sflag:s22] =	ssyncset.done $0x0  }
0xa0: {  	[sflag:s22] =	ssyncadd.s32 s4;
	_ =	sdelay $0x1  }
0xa1: {  	s23 =	simm.s32 $0x1B8B  }
0xa2: {  	_ =	swait.ge [sflag:s23], $0x1  }
0xa3: {  	[sflag:s23] =	ssyncset.done $0x0  }
0xa4: {  	s25 =	simm.s32 $0x1B8E;
	s24 =	sld [smem:$0x3FFE];
	[sflag:s23] =	ssyncadd.s32 $0xFFFFFFFF  }
0xa5: {  	s26 =	simm.s32 $execute0_lowered;
	[smem:$0x3FD2] =	sst s25  }
0xa6: {  	s5 =	sshll.u32 s26, $0x1;
	_ =	strace $0x80000046;
	[dreg:$0x1] =	wrdreg $0xFFFFFFFF  }
0xa7: {  	s28 =	simm.s32 $_size_execute0_lowered;
	s3 =	sadd.s32 s3, s5;
	[dreg:$0x0] =	wrdreg $0x0  }
0xa8: {  	s5 =	sshll.u32 s28, $0x1;
	[dreg:$0x2] =	wrdreg s3  }
0xa9: {  	[dreg:$0x3] =	wrdreg s5  }
0xaa: {  	[dreg:$0x4] =	wrdreg $0xC0  }
0xab: {  	_ =	task [dreg:s7], $0x5FFFF  }
0xac: {  	[dreg:$0x1] =	wrdreg $0xFFFFFFFF  }
0xad: {  	[dreg:$0x0] =	wrdreg $0x60  }
0xae: {  	[dreg:$0x2] =	wrdreg s24  }
0xaf: {  	[dreg:$0x3] =	wrdreg s2  }
0xb0: {  	[dreg:$0x4] =	wrdreg $0x0  }
0xb1: {  	[dreg:$0x5] =	wrdreg $0x9  }
0xb2: {  	_ =	task.clear_ibuf [dreg:s7], $0x6FFFF;
	_ =	strace $0x90000046  }
0xb3: {  	s29 =	simm.s32 $0x9;
	_ =	strace $0x80000048  }
0xb4: {  	_ =	swait.ge [sflag:s29], $0x1  }
0xb5: {  	[sflag:s29] =	ssyncadd.s32 $0xFFFFFFFF  }
0xb6: {  	_ =	strace $0x90000048  }
0xb7: {  	_ =	sfence  }
0xb8: {  	s30 =	sld [smem:$0x0];
	_ =	sdelay $0x2  }
0xb9: {  	s31 =	sshll.u32 s1, $0xD;
	s1 =	sshrl.u32 s1, $0x2  }
0xba: {  	s3 =	sand.u32 $0x4000, s31;
	s1 =	sadd.s32 s1, s30  }
0xbb: {  	s0 =	sor.u32 s3, s0;
	s1 =	sshll.u32 s1, $0x11  }
0xbc: {  	s0 =	sor.u32 s1, s0  }
0xbd: {  	s0 =	sadd.s32 $0x8F2B, s0  }
0xbe: {  	[sflag:s0] =	ssyncadd.remote.s32 $0x1  }
0xbf: {  	_ =	sfence.sel $0xFFFF  }
0xc0: {  	[dreg:$0x0] =	wrdreg $0xFFFFFFFF;
	(pc) =	sbr.abs _section_cstart, $3  }
0xc1: {  	[dreg:$0x1] =	wrdreg $0xFFFFFFFF  }
0xc2: {  	_ =	task.clear_ibuf [dreg:s7], $0x2FFFF;
	_ =	strace $0x9FFFFFFF  }
0xc3: {  	(tm) =	ssettm $0x7FFFFFFF  }
tec
execute0_lowered:
.L_overlay_start_1:
0x0: {  	(tag) =	ssettag $0x1  }
0x1: {  	s0 =	rddreg [dreg:$0x0]  }
0x2: {  	s12 =	rddreg [dreg:$0x1]  }
0x3: {  	s2 =	rddreg [dreg:$0x2];
	s1 =	simm.s32 $0x0  }
0x4: {  	s10 =	srdreg.scid;
	s13 =	stileid.u32;
	s24 =	simm.s32 $0x6  }
0x5: {  	s29 =	simm.s32 $0x16800;
	s28 =	simm.s32 $0x0;
	[smem:$0x7FF] =	sst s1  }
0x6: {  	s1 =	sand.u32 $0x1, s10;
	s3 =	sshll.u32 s13, $0x1;
	s5 =	sadd.s32 $0x1600, s0  }
0x7: {  	s6 =	sadd.s32 $0x15000, s0;
	s4 =	sadd.s32 $0x28A00, s0;
	s17 =	sadd.s32 $0x2B200, s0  }
0x8: {  	s10 =	simm.s32 $0x14;
	s16 =	smul.u32 $0x4F000, s13;
	p3 =	sne.s32 s13, $0xF  }
0x9: {  	p4 =	seq.s32 s13, $0xF;
	s21 =	smul.u32 $0x13800, s13;
	s22 =	sadd.s32 $0x124800, s2  }
0xa: {  	_ =	strace $0x80000047;
	s3 =	sor.u32 s1, s3;
	[dreg:$0x4] =	wrdreg s4  }
0xb: {  	s11 =	ssub.s32 $0x2, s1;
	p1 =	seq.s32 s1, $0x0;
	[dreg:$0x5] =	wrdreg s17  }
0xc: {  	s31 =	sshrl.u32 s22, $0x3;
	s8 =	smul.u32 $0x2800, s3;
	s7 =	sshrl.u32 s11, $0x1  }
0xd: {  	s9 =	smul.u32 $0x500, s3;
	p0 =	seq.s32 s3, $0x1F;
	s20 =	sshrl.u32 s16, $0x2  }
0xe: {  	s16 =	simm.s32 $0x3;
	p2 =	por !p1, !p3;
	s3 =	simm.s32 @!p4 $0x0  }
0xf: {  	p1 =	por !p1, !p4;
	s25 =	sshrl.u32 s21, $0x3;
	[dreg:$0xa] =	wrdreg s31  }
0x10: {  	s4 =	ssub.s32 s11, s7;
	s10 =	simm.s32 @!p0 $0x50;
	s3 =	simm.s32 @p4 $0x1  }
0x11: {  	s16 =	simm.s32 @!p0 $0x12;
	p2 =	por !p2, !p2;
	p1 =	por !p1, !p1  }
0x12: {  	p4 =	seq.s32 s1, $0x1;
	s26 =	sadd.s32 s12, s25;
	s30 =	sadd.s32 s17, s25  }
0x13: {  	s1 =	simm.s32 $0x1A800;
	s17 =	simm.s32 $0x5;
	[smem:$0x7FC] =	sst s3  }
0x14: {  	s14 =	sshrl.u32 s8, $0x3;
	s15 =	sadd.s32 s9, s6;
	[dreg:$0x8] =	wrdreg s26  }
0x15: {  	s7 =	simm.s32 @!p1 $0x0;
	p6 =	por !p3, !p4;
	[dreg:$0x9] =	wrdreg s30  }
0x16: {  	s26 =	simm.s32 $0x80;
	s11 =	sadd.s32 s6, s14;
	s18 =	sadd.s32 $0x40, s15  }
.Ltmp0:
0x17: {  	s14 =	sadd.s32 $0x28740, s0;
	s0 =	sadd.s32 s20, s2;
	(pc) =	sbr.rel .LBB2_1-.Ltmp0, $4  }
0x18: {  	s15 =	simm.s32 $0x3;
	s7 =	simm.s32 @p1 $0x1;
	p5 =	por !p6, !p6  }
0x19: {  	s20 =	smax.u32 s4, $0x1;
	[dreg:$0x6] =	wrdreg s18;
	s19 =	sadd.s32 $0x9C40, s11  }
0x1a: {  	[smem:$0x7FD] =	sst s7;
	s18 =	sadd.s32 s21, s2;
	s21 =	simm.s32 $0x16400  }
0x1b: {  	s23 =	sshrl.u32 s0, $0x3;
	s0 =	simm.s32 $0x1;
	[dreg:$0x7] =	wrdreg s19  }
.LBB2_11:
0x1c: {  	s3 =	sadd.s32 $0x24900, s3;
	s4 =	rddreg [dreg:$0xa]  }
0x1d: {  	[hbm:s3], [sflag:s30] =	dma.local [spmem:s4], $0x2800  }
0x1e: {  	_ =	swait.ge [sflag:s24], $0x2800  }
0x1f: {  	[sflag:s24] =	ssyncset.done $0x0  }
0x20: {  	[sflag:s24] =	ssyncadd.s32 $0xFFFFD800  }
.LBB2_12:
0x21: {  	s28 =	sadd.s32 $0x1, s28  }
0x22: {  	p1 =	sne.s32 s28, s20  }
.Ltmp1:
0x23: {  	_ = 	snop;
	(pc) =	sbr.rel @!p1 .LBB2_13-.Ltmp1, $1  }
0x24: {  	_ =	sdelay $0x3  }
.LBB2_1:
0x25: {  	s3 =	simm.s32 $0x0  }
0x26: {  	[tilespmem:s21], [sflag:$0x1] =	stream.linear.gather [hbm4b:s11+s3], $0x200, $0x38;
	[tilespmem:$0x1E800] =	vst v63  }
0x27: {  	s4 =	rddreg [dreg:$0x6];
	s7 =	simm.s32 $0x16600  }
0x28: {  	[tilespmem:s7], [sflag:$0x2] =	stream.linear.gather [hbm4b:s4+s3], $0x200, $0x38;
	[tilespmem:$0x1E800] =	vst v63  }
0x29: {  	s3 =	simm.s32 @p0 $0x0;
	s4 =	simm.s32 @p0 $0x13C00  }
0x2a: {  	[tilespmem:s4], [sflag:$0x6] =	stream.linear.gather @p0 [hbm4b:s14+s3], $0xA00, $0x38;
	[tilespmem:$0x1E800] =	vst v63  }
0x2b: {  	s3 =	simm.s32 @p0 $0x6  }
0x2c: {  	_ =	swait.ge @p0 [sflag:s3], $0xA00  }
0x2d: {  	s4 =	simm.s32 @!p0 $0x13C00;
	[sflag:s3] =	ssyncset.done @p0 $0x0  }
0x2e: {  	s7 =	rddreg [dreg:$0x7];
	[sflag:s3] =	ssyncadd.s32 @p0 $0xFFFFF600;
	s3 =	simm.s32 @!p0 $0x0  }
0x2f: {  	[tilespmem:s4], [sflag:$0x6] =	stream.linear.gather @!p0 [hbm4b:s7+s3], $0x2800, $0x38;
	[tilespmem:$0x1E800] =	vst v63  }
0x30: {  	s3 =	simm.s32 @!p0 $0x6  }
0x31: {  	s12 =	stileid.u32;
	_ =	swait.ge @!p0 [sflag:s3], $0x2800  }
0x32: {  	s4 =	sshll.u32 s12, $0x6;
	[sflag:s3] =	ssyncset.done @!p0 $0x0  }
0x33: {  	s30 =	sor.u32 $0x1C06, s4;
	s13 =	rddreg [dreg:$0x4];
	[sflag:s3] =	ssyncadd.s32 @!p0 $0xFFFFD800  }
0x34: {  	[spmem:s23], [sflag:s30] =	dma.local [hbm:s13], $0x2780  }
0x35: {  	_ =	swait.ge [sflag:s24], $0x2780  }
0x36: {  	[sflag:s24] =	ssyncset.done $0x0  }
0x37: {  	[sflag:s24] =	ssyncadd.s32 $0xFFFFD880  }
0x38: {  	s19 =	simm.s32 $0x13C00;
	[bflag:$0x0] =	sbarrier.arrive $0xFFFF  }
0x39: {  	[tilespmem:s29], [sflag:$0x3] =	stream.indirect.gather [hbm4b:s5+s26], $0x40, s19, s26, $0xb8;
	[tilespmem:$0x1E800] =	vst v63  }
0x3a: {  	s22 =	simm.s32 $0x13C80;
	s25 =	simm.s32 $0x18800  }
0x3b: {  	[tilespmem:s25], [sflag:$0x4] =	stream.indirect.gather [hbm4b:s5+s26], $0x40, s22, s26, $0xb8;
	[tilespmem:$0x1E800] =	vst v63  }
0x3c: {  	_ =	swait.ge [sflag:s0], $0x200  }
0x3d: {  	[sflag:s0] =	ssyncset.done $0x0  }
0x3e: {  	[sflag:s0] =	ssyncadd.s32 $0xFFFFFE00  }
0x3f: {  	_ =	swait.ge [sflag:s15], $0x2000  }
0x40: {  	[sflag:s15] =	ssyncset.done $0x0  }
0x41: {  	s31 =	simm.s32 $0x0;
	[sflag:s15] =	ssyncadd.s32 $0xFFFFE000  }
0x42: {  	v0 =	vld [tilespmem:s31+$0x16800];
	_ =	sdelay $0x4  }
0x43: {  	s3 =	simm.s32 $0x1A840;
	v1 =	vshll.u32 v0, $0x10  }
0x44: {  	v0 =	vand.u32 $0xFFFF0000, v0;
	[tilespmem:s3+$0xFFFFFFC0] =	vst v1  }
0x45: {  	[tilespmem:s3+$0xFFFFFFD0] =	vst v0  }
0x46: {  	v0 =	vld [tilespmem:s31+$0x16810];
	_ =	sdelay $0x4  }
0x47: {  	v1 =	vshll.u32 v0, $0x10  }
0x48: {  	v0 =	vand.u32 $0xFFFF0000, v0;
	[tilespmem:s3+$0xFFFFFFE0] =	vst v1  }
0x49: {  	[tilespmem:s3+$0xFFFFFFF0] =	vst v0  }
0x4a: {  	v0 =	vld [tilespmem:s31+$0x16820];
	_ =	sdelay $0x4  }
0x4b: {  	v1 =	vand.u32 $0xFFFF0000, v0  }
0x4c: {  	v0 =	vshll.u32 v0, $0x10;
	[tilespmem:s3+$0x10] =	vst v1  }
0x4d: {  	[tilespmem:s3+$0x0] =	vst v0  }
0x4e: {  	v0 =	vld [tilespmem:s31+$0x16830];
	_ =	sdelay $0x4  }
0x4f: {  	v1 =	vshll.u32 v0, $0x10  }
0x50: {  	v0 =	vand.u32 $0xFFFF0000, v0;
	[tilespmem:s3+$0x20] =	vst v1  }
0x51: {  	s4 =	simm.s32 $0x40;
	[tilespmem:s3+$0x30] =	vst v0  }
0x52: {  	v0 =	vld [tilespmem:s4+$0x16800]  }
0x53: {  	s7 =	simm.s32 $0x200  }
.LBB2_2:
0x54: {  	p3 =	sne.s32 s7, $0x7F00;
	_ =	sdelay $0x2  }
0x55: {  	s3 =	sadd.s32 $0x80, s3;
	v1 =	vshll.u32 v0, $0x10  }
0x56: {  	v0 =	vand.u32 $0xFFFF0000, v0;
	[tilespmem:s3+$0xFFFFFFC0] =	vst v1  }
0x57: {  	[tilespmem:s3+$0xFFFFFFD0] =	vst v0  }
0x58: {  	v0 =	vld [tilespmem:s4+$0x16810];
	_ =	sdelay $0x4  }
0x59: {  	v1 =	vshll.u32 v0, $0x10  }
0x5a: {  	v0 =	vand.u32 $0xFFFF0000, v0;
	[tilespmem:s3+$0xFFFFFFE0] =	vst v1  }
0x5b: {  	[tilespmem:s3+$0xFFFFFFF0] =	vst v0  }
0x5c: {  	v0 =	vld [tilespmem:s4+$0x16820];
	_ =	sdelay $0x4  }
0x5d: {  	v1 =	vshll.u32 v0, $0x10;
	v0 =	vand.u32 $0xFFFF0000, v0  }
0x5e: {  	[tilespmem:s3+$0x10] =	vst v0  }
0x5f: {  	[tilespmem:s3+$0x0] =	vst v1  }
0x60: {  	v0 =	vld [tilespmem:s4+$0x16830];
	_ =	sdelay $0x4  }
.Ltmp2:
0x61: {  	v1 =	vshll.u32 v0, $0x10;
	v0 =	vand.u32 $0xFFFF0000, v0;
	(pc) =	sbr.rel @p3 .LBB2_2-.Ltmp2, $4  }
0x62: {  	[tilespmem:s3+$0x20] =	vst v1  }
0x63: {  	s4 =	sshra.s32 s7, $0x2;
	[tilespmem:s3+$0x30] =	vst v0  }
0x64: {  	v0 =	vld [tilespmem:s4+$0x16800]  }
0x65: {  	s7 =	sadd.s32 $0x100, s7  }
0x66: {  	_ =	sdelay $0x2  }
0x67: {  	s3 =	sadd.s32 $0x80, s3;
	v1 =	vshll.u32 v0, $0x10  }
0x68: {  	v60 =	vand.u32 $0xFFFF0000, v0;
	[tilespmem:s3+$0xFFFFFFC0] =	vst v1  }
0x69: {  	[tilespmem:s3+$0xFFFFFFD0] =	vst v60  }
0x6a: {  	v0 =	vld [tilespmem:s4+$0x16810];
	_ =	sdelay $0x4  }
0x6b: {  	v61 =	vshll.u32 v0, $0x10  }
0x6c: {  	v0 =	vand.u32 $0xFFFF0000, v0;
	[tilespmem:s3+$0xFFFFFFE0] =	vst v61  }
0x6d: {  	[tilespmem:s3+$0xFFFFFFF0] =	vst v0  }
0x6e: {  	v0 =	vld [tilespmem:s4+$0x16820];
	_ =	sdelay $0x4  }
0x6f: {  	v62 =	vand.u32 $0xFFFF0000, v0  }
0x70: {  	v0 =	vshll.u32 v0, $0x10;
	[tilespmem:s3+$0x10] =	vst v62  }
0x71: {  	[tilespmem:s3+$0x0] =	vst v0  }
0x72: {  	v0 =	vld [tilespmem:s4+$0x16830];
	_ =	sdelay $0x4  }
0x73: {  	v63 =	vshll.u32 v0, $0x10  }
0x74: {  	v0 =	vand.u32 $0xFFFF0000, v0;
	[tilespmem:s3+$0x20] =	vst v63  }
0x75: {  	[tilespmem:s3+$0x30] =	vst v0  }
0x76: {  	[spmem:s2] =	stream.indirect.scatter.add.f32 [tilespmem:s1], [sflag:$0x5], $0x80, s21, s26, $0xb8;
	[tilespmem:$0x1E800] =	vst v63  }
0x77: {  	s25 =	simm.s32 $0x13D00;
	s31 =	simm.s32 $0x1;
	p6 =	por $0x1, $0x1  }
0x78: {  	[tilespmem:s29], [sflag:$0x3] =	stream.indirect.gather [hbm4b:s5+s26], $0x40, s25, s26, $0xb8;
	[tilespmem:$0x1E800] =	vst v63  }
.LBB2_4:
0x79: {  	s4 =	sand.u32 $0x1, s31  }
0x7a: {  	s3 =	simm.s32 $0x1;
	s22 =	sadd.s32 $0x3, s4  }
0x7b: {  	s3 =	simm.s32 @!p6 $0x0;
	_ =	swait.ge [sflag:s22], $0x2000  }
0x7c: {  	s7 =	sshll.u32 s3, $0xD;
	s3 =	sand.u32 $0x3, s31;
	[sflag:s22] =	ssyncset.done $0x0  }
0x7d: {  	s25 =	sshrl.u32 s31, $0x2;
	p3 =	sne.s32 s3, $0x0;
	[sflag:s22] =	ssyncadd.s32 $0xFFFFE000  }
0x7e: {  	s7 =	sadd.s32 $0x16800, s7;
	p1 =	sgt.u32 @!p3 s25, s16;
	_ =	swait.ge [sflag:s17], $0x4000  }
0x7f: {  	s9 =	sand.u32 @!p3 $0x1, s25;
	p1 =	por p1, p3;
	[sflag:s17] =	ssyncset.done $0x0  }
0x80: {  	s9 =	sadd.s32 @!p3 $0x1, s9;
	s19 =	sadd.s32 @!p1 $0x1, s25;
	[sflag:s17] =	ssyncadd.s32 $0xFFFFC000  }
0x81: {  	s12 =	sshll.u32 @!p1 s19, $0x9;
	s19 =	sand.u32 @!p1 $0x1, s19;
	_ =	swait.ge @!p3 [sflag:s9], $0x200  }
0x82: {  	v0 =	vmov s7;
	s12 =	sadd.s32 @!p1 s8, s12;
	s13 =	sshll.u32 @!p1 s19, $0x9;
	[sflag:s9] =	ssyncset.done @!p3 $0x0  }
0x83: {  	s7 =	sor.u32 @!p1 $0x16400, s13;
	[sflag:s9] =	ssyncadd.s32 @!p3 $0xFFFFFE00;
	s9 =	sshrl.u32 @!p1 s12, $0x3  }
0x84: {  	s13 =	simm.s32 @!p1 $0x0;
	s12 =	sadd.s32 @!p1 $0x1, s19;
	s9 =	sadd.s32 @!p1 s6, s9  }
0x85: {  	[tilespmem:s7], [sflag:s12] =	stream.linear.gather @!p1 [hbm4b:s9+s13], $0x200, $0x38;
	[tilespmem:$0x1E800] =	vst v63  }
0x86: {  	s12 =	simm.s32 $0x0  }
0x87: {  	v1 =	vld.idx.msk [tilespmem:v0+s12+$0x0 ss:$0x1], $0xffff;
	_ =	sdelay $0x4  }
0x88: {  	s19 =	simm.s32 $0x1A840;
	v2 =	vshll.u32 v1, $0x10  }
0x89: {  	v1 =	vand.u32 $0xFFFF0000, v1;
	[tilespmem:s19+$0xFFFFFFC0] =	vst v2  }
0x8a: {  	[tilespmem:s19+$0xFFFFFFD0] =	vst v1  }
0x8b: {  	v1 =	vld.idx.msk [tilespmem:v0+s12+$0x10 ss:$0x1], $0xffff;
	_ =	sdelay $0x4  }
0x8c: {  	v2 =	vshll.u32 v1, $0x10  }
0x8d: {  	v1 =	vand.u32 $0xFFFF0000, v1;
	[tilespmem:s19+$0xFFFFFFE0] =	vst v2  }
0x8e: {  	[tilespmem:s19+$0xFFFFFFF0] =	vst v1  }
0x8f: {  	v1 =	vld.idx.msk [tilespmem:v0+s12+$0x20 ss:$0x1], $0xffff;
	_ =	sdelay $0x4  }
0x90: {  	v2 =	vand.u32 $0xFFFF0000, v1  }
0x91: {  	v1 =	vshll.u32 v1, $0x10;
	[tilespmem:s19+$0x10] =	vst v2  }
0x92: {  	[tilespmem:s19+$0x0] =	vst v1  }
0x93: {  	v1 =	vld.idx.msk [tilespmem:v0+s12+$0x30 ss:$0x1], $0xffff;
	_ =	sdelay $0x4  }
0x94: {  	v2 =	vshll.u32 v1, $0x10  }
0x95: {  	v1 =	vand.u32 $0xFFFF0000, v1;
	[tilespmem:s19+$0x20] =	vst v2  }
0x96: {  	s13 =	sshll.u32 s4, $0xD;
	s4 =	simm.s32 $0x40;
	[tilespmem:s19+$0x30] =	vst v1  }
0x97: {  	s7 =	simm.s32 $0x200;
	s9 =	sadd.s32 $0x16800, s13;
	v1 =	vld.idx.msk [tilespmem:v0+s4+$0x0 ss:$0x1], $0xffff  }
.LBB2_5:
0x98: {  	p3 =	sne.s32 s7, $0x7F00;
	_ =	sdelay $0x3  }
0x99: {  	s19 =	sadd.s32 $0x80, s19;
	v2 =	vshll.u32 v1, $0x10  }
0x9a: {  	v1 =	vand.u32 $0xFFFF0000, v1;
	[tilespmem:s19+$0xFFFFFFC0] =	vst v2  }
0x9b: {  	[tilespmem:s19+$0xFFFFFFD0] =	vst v1  }
0x9c: {  	v1 =	vld.idx.msk [tilespmem:v0+s4+$0x10 ss:$0x1], $0xffff;
	_ =	sdelay $0x5  }
0x9d: {  	v2 =	vshll.u32 v1, $0x10  }
0x9e: {  	v1 =	vand.u32 $0xFFFF0000, v1;
	[tilespmem:s19+$0xFFFFFFE0] =	vst v2  }
0x9f: {  	[tilespmem:s19+$0xFFFFFFF0] =	vst v1  }
0xa0: {  	v1 =	vld.idx.msk [tilespmem:v0+s4+$0x20 ss:$0x1], $0xffff;
	_ =	sdelay $0x5  }
0xa1: {  	v2 =	vshll.u32 v1, $0x10;
	v1 =	vand.u32 $0xFFFF0000, v1  }
0xa2: {  	[tilespmem:s19+$0x10] =	vst v1  }
0xa3: {  	[tilespmem:s19+$0x0] =	vst v2  }
0xa4: {  	v1 =	vld.idx.msk [tilespmem:v0+s4+$0x30 ss:$0x1], $0xffff;
	_ =	sdelay $0x5  }
.Ltmp3:
0xa5: {  	v2 =	vshll.u32 v1, $0x10;
	v1 =	vand.u32 $0xFFFF0000, v1;
	(pc) =	sbr.rel @p3 .LBB2_5-.Ltmp3, $4  }
0xa6: {  	[tilespmem:s19+$0x20] =	vst v2  }
0xa7: {  	s4 =	sshra.s32 s7, $0x2;
	[tilespmem:s19+$0x30] =	vst v1  }
0xa8: {  	v1 =	vld.idx.msk [tilespmem:v0+s4+$0x0 ss:$0x1], $0xffff  }
0xa9: {  	s7 =	sadd.s32 $0x100, s7  }
0xaa: {  	_ =	sdelay $0x2  }
0xab: {  	s7 =	sadd.s32 $0x80, s19;
	v2 =	vshll.u32 v1, $0x10  }
0xac: {  	v59 =	vand.u32 $0xFFFF0000, v1;
	[tilespmem:s7+$0xFFFFFFC0] =	vst v2  }
0xad: {  	[tilespmem:s7+$0xFFFFFFD0] =	vst v59  }
0xae: {  	v1 =	vld.idx.msk [tilespmem:v0+s4+$0x10 ss:$0x1], $0xffff;
	_ =	sdelay $0x4  }
0xaf: {  	v60 =	vshll.u32 v1, $0x10  }
0xb0: {  	v1 =	vand.u32 $0xFFFF0000, v1;
	[tilespmem:s7+$0xFFFFFFE0] =	vst v60  }
0xb1: {  	[tilespmem:s7+$0xFFFFFFF0] =	vst v1  }
0xb2: {  	v1 =	vld.idx.msk [tilespmem:v0+s4+$0x20 ss:$0x1], $0xffff;
	_ =	sdelay $0x4  }
0xb3: {  	v61 =	vand.u32 $0xFFFF0000, v1  }
0xb4: {  	v1 =	vshll.u32 v1, $0x10;
	[tilespmem:s7+$0x10] =	vst v61  }
0xb5: {  	[tilespmem:s7+$0x0] =	vst v1  }
0xb6: {  	v62 =	vld.idx.msk [tilespmem:v0+s4+$0x30 ss:$0x1], $0xffff;
	_ =	sdelay $0x3  }
0xb7: {  	s25 =	sshll.u32 s25, $0x9  }
0xb8: {  	s3 =	sshll.u32 s3, $0x7;
	s4 =	sand.u32 $0x200, s25;
	v63 =	vshll.u32 v62, $0x10  }
0xb9: {  	s3 =	sor.u32 s3, s4;
	v0 =	vand.u32 $0xFFFF0000, v62;
	[tilespmem:s7+$0x20] =	vst v63  }
0xba: {  	s3 =	sor.u32 $0x16400, s3;
	[tilespmem:s7+$0x30] =	vst v0  }
0xbb: {  	[spmem:s2] =	stream.indirect.scatter.add.f32 [tilespmem:s1], [sflag:$0x5], $0x80, s3, s26, $0xb8;
	[tilespmem:$0x1E800] =	vst v63  }
0xbc: {  	s3 =	sadd.s32 $0x2, s31  }
0xbd: {  	p1 =	sge.u32 s3, s10  }
0xbe: {  	s3 =	sshll.u32 @!p1 s3, $0x7  }
0xbf: {  	s3 =	sand.u32 @!p1 $0x3FFFFF80, s3  }
0xc0: {  	s31 =	sadd.s32 $0x1, s31;
	s4 =	simm.s32 @!p1 $0x80;
	s3 =	sadd.s32 @!p1 $0x13C00, s3  }
0xc1: {  	[tilespmem:s9], [sflag:s22] =	stream.indirect.gather @!p1 [hbm4b:s5+s4], $0x40, s3, s4, $0xb8;
	[tilespmem:$0x1E800] =	vst v63  }
0xc2: {  	p1 =	sne.s32 s31, s10  }
.Ltmp4:
0xc3: {  	_ = 	snop;
	(pc) =	sbr.rel @p1 .LBB2_4-.Ltmp4, $2  }
0xc4: {  	_ =	sdelay $0x2  }
0xc5: {  	p6 =	por !p6, !p6  }
.Ltmp5:
0xc6: {  	_ =	swait.ge [sflag:s17], $0x4000;
	(pc) =	sbr.rel @!p2 .LBB2_9-.Ltmp5, $3  }
0xc7: {  	[sflag:s17] =	ssyncset.done $0x0  }
0xc8: {  	[sflag:s17] =	ssyncadd.s32 $0xFFFFC000  }
0xc9: {  	[bflag:$0x0] =	sbarrier.arrive $0xFFFF;
	_ =	sdelay $0x1  }
.Ltmp6:
0xca: {  	s3 =	sshrl.u32 s18, $0x3;
	s4 =	rddreg [dreg:$0x8];
	(pc) =	sbr.rel .LBB2_10-.Ltmp6, $4  }
0xcb: {  	[hbm:s4], [sflag:s30] =	dma.local [spmem:s3], $0x2700  }
0xcc: {  	_ =	swait.ge [sflag:s24], $0x2700  }
0xcd: {  	[sflag:s24] =	ssyncset.done $0x0  }
0xce: {  	p1 =	por $0x0, $0x0;
	[sflag:s24] =	ssyncadd.s32 $0xFFFFD900  }
.LBB2_9:
0xcf: {  	s4 =	sld [smem:$0x7FD];
	_ =	sdelay $0x2  }
0xd0: {  	p3 =	seq.s32 s4, $0x1  }
.Ltmp7:
0xd1: {  	_ = 	snop;
	(pc) =	sbr.rel @p3 .LBB2_11-.Ltmp7, $2  }
0xd2: {  	s3 =	sld [smem:$0x7FC];
	_ =	sdelay $0x2  }
0xd3: {  	p1 =	seq.s32 s3, $0x1;
	s3 =	rddreg [dreg:$0x1]  }
.LBB2_10:
0xd4: {  	s3 =	sshrl.u32 @p5 s18, $0x3;
	s4 =	rddreg [dreg:$0x9];
	p3 =	por @p5 $0x1, $0x1  }
0xd5: {  	[hbm:s4], [sflag:s30] =	dma.local @p5 [spmem:s3], $0x2700  }
0xd6: {  	p3 =	por @!p5 p4, p4  }
0xd7: {  	p1 =	por !p3, !p1  }
0xd8: {  	p1 =	por !p1, !p1  }
.Ltmp8:
0xd9: {  	_ = 	snop;
	(pc) =	sbr.rel @!p1 .LBB2_12-.Ltmp8, $4  }
.Ltmp9:
0xda: {  	s3 =	simm.s32 @p5 $0x6;
	(pc) =	sbr.rel @p1 .LBB2_11-.Ltmp9, $4  }
0xdb: {  	_ =	swait.ge @p5 [sflag:s3], $0x2700  }
0xdc: {  	[sflag:s3] =	ssyncset.done @p5 $0x0  }
0xdd: {  	[sflag:s3] =	ssyncadd.s32 @p5 $0xFFFFD900;
	s3 =	rddreg [dreg:$0x5]  }
0xde: {  	_ = 	snop  }
.LBB2_13:
0xdf: {  	_ =	sfence.sel $0x180000  }
0xe0: {  	[bflag:$0x0] =	sbarrier.arrive $0xFFFF  }
0xe1: {  	_ =	strace $0x90000047  }
0xe2: {  	s0 =	stileid.u32;
	[bflag:$0x2] =	sbarrier.arrive $0xFFFF  }
0xe3: {  	p0 =	sne.s32 s0, $0x0;
	s0 =	rddreg [dreg:$0x3]  }
0xe4: {  	s0 =	sadd.s32 @!p0 $0x100000, s0  }
0xe5: {  	[sflag:s0] =	ssyncadd.tile.s32 @!p0 $0x1;
	_ =	shalt  }
.Lfunc_end2:
_tile_overlayer_lowered:
.L_overlay_start_2:
0xe6: {  	(tag) =	ssettag $0x2  }
0xe7: {  	s0 =	rddreg [dreg:$0x0];
	s2 =	stileid.u32  }
0xe8: {  	s1 =	rddreg [dreg:$0x1];
	p0 =	sne.s32 s2, $0x0  }
0xe9: {  	s3 =	rddreg [dreg:$0x2];
	[bflag:$0x3] =	sbarrier.arrive $0xFFFF;
	s2 =	simm.s32 @!p0 $0x1C06  }
0xea: {  	[timem:s3], [sflag:s2] =	dma.local @!p0 [hbm:s0], s1  }
0xeb: {  	s0 =	simm.s32 @!p0 $0x6  }
0xec: {  	_ =	swait.ge @!p0 [sflag:s0], s1  }
0xed: {  	s1 =	ssub.s32 @!p0 $0x0, s1;
	[sflag:s0] =	ssyncset.done @!p0 $0x0  }
0xee: {  	[sflag:s0] =	ssyncadd.s32 @!p0 s1  }
0xef: {  	[bflag:$0x3] =	sbarrier.arrive $0xFFFF  }
0xf0: {  	_ =	shalt  }

</sc_bundles>
